<compile_context>
chip_gen: v7x
topology: tpu7x:2x2x1
jax: 0.10.2.dev20260603
libtpu: 0.0.44.dev20260713+nightly
codegen_flags: <defaults>
</compile_context>

<pallas_src>
import functools

import jax
import jax.numpy as jnp
from jax import lax
from jax.experimental import pallas as pl
from jax.experimental.pallas import tpu as pltpu
from jax.experimental.pallas import tpu_sc as plsc

H = 64
NUM_BITS = 20
BATCH = 16384
V = 2**NUM_BITS

_info = plsc.get_sparse_core_info()
_NC, _NS, _L = _info.num_cores, _info.num_subcores, _info.num_lanes
_NW = _NC * _NS
_BPW = BATCH // _NW
_NG = _BPW // _L
_STREAM = 4096
_NCH = _BPW // _STREAM
_TILE_WORDS = V // 128 * 1024
_NB = H // 8


def _gather_body(states_hbm, emb_hbm, out_hbm, st_v, base_v, idx_v, col_v,
                 sem_out, *sems):
    wid = lax.axis_index("s") * _NC + lax.axis_index("c")
    base = wid * _BPW

    pltpu.sync_copy(states_hbm.at[:, pl.ds(base, _BPW)], st_v)

    def pack_body(g, carry):
        acc = st_v[0, pl.ds(g * _L, _L)]
        for j in range(1, NUM_BITS):
            acc = acc + (st_v[j, pl.ds(g * _L, _L)] << j)
        base_v[pl.ds(g * _L, _L)] = (acc >> 7) * 1024 + (acc & 127)
        return carry

    lax.fori_loop(0, _NG, pack_body, None)

    def make_idx_body(a):
        def idx_body(g, carry):
            tbl = g // 8
            vg = g % 8
            b16 = base_v[pl.ds(tbl * 128 + vg * _L, _L)]
            for s in range(8):
                pos = a * 4096 + tbl * 1024 + s * 128 + vg * _L
                idx_v[pl.ds(pos, _L)] = b16 + (a * _TILE_WORDS + s * 128)
            return carry
        return idx_body

    out_writes = []

    def finish_band(a, copies):
        for cp in copies:
            cp.wait()
        out_writes.append(pltpu.async_copy(
            col_v.at[pl.ds(a * 4096, 4096)],
            out_hbm.at[pl.ds((a * (BATCH // 128) + 4 * wid) * 1024, 4096)],
            sem_out))

    prev = None
    for a in range(_NB):
        lax.fori_loop(0, _NG, make_idx_body(a), None)
        copies = []
        for q in range(8 * _BPW // _STREAM):
            pos = a * 4096 + q * _STREAM
            copies.append(pltpu.async_copy(
                emb_hbm.at[idx_v.at[pl.ds(pos, _STREAM)]],
                col_v.at[pl.ds(pos, _STREAM)],
                sems[a],
            ))
        if prev is not None:
            finish_band(*prev)
        prev = (a, copies)
    finish_band(*prev)

    for wr in out_writes:
        wr.wait()


@jax.jit
def kernel(states, emb):
    emb_flat = emb.reshape(V // 128, 128, 8, H // 8)
    emb_flat = emb_flat.transpose(2, 0, 3, 1).reshape(-1)
    mesh = plsc.VectorSubcoreMesh(core_axis_name="c", subcore_axis_name="s")
    gather = functools.partial(
        pl.kernel,
        mesh=mesh,
        out_type=jax.ShapeDtypeStruct((BATCH * H,), jnp.float32),
        scratch_types=[
            pltpu.VMEM((NUM_BITS, _BPW), jnp.int32),
            pltpu.VMEM((_BPW,), jnp.int32),
            pltpu.VMEM((H * _BPW,), jnp.int32),
            pltpu.VMEM((H * _BPW,), jnp.float32),
            pltpu.SemaphoreType.DMA,
        ] + [pltpu.SemaphoreType.DMA] * _NB,
        compiler_params=pltpu.CompilerParams(use_tc_tiling_on_sc=False),
    )(_gather_body)
    out4 = gather(states.T, emb_flat).reshape(_NB, BATCH // 128, 8, 128)
    return out4.transpose(1, 3, 0, 2).reshape(BATCH, H)

# --- scband reference (transcript-rebuilt; emitter-appended) ---
"""Pipeline reference for scband-states-encoder-47794396070413 (READ-ONLY COPY).

The authoritative reference and input builder live on the scoring server;
editing this copy changes nothing except your own understanding.
"""

import jax, jax.numpy as jnp
import numpy as np

H = 64
NUM_BITS = 20
BATCH = 16384

def from_binary_states(states):
    powers = 2 ** jnp.arange(states.shape[-1], dtype=states.dtype)
    return jnp.sum(states * powers, axis=-1)

def setup_inputs(seed: int = 0) -> dict:
    key = jax.random.key(seed)
    k1, k2 = jax.random.split(key)
    states = jax.random.randint(k1, (BATCH, NUM_BITS), 0, 2, dtype=jnp.int32)
    emb = jax.random.normal(k2, (2 ** NUM_BITS, H), dtype=jnp.float32) * 0.02
    return {"states": states, "emb": emb}

def reference(states, emb):
    idx = from_binary_states(states)
    return jnp.take(emb, idx, axis=0)

if __name__ == "__main__":
    import jax
    _d = setup_inputs()
    print(jax.jit(kernel)(*tuple(_d.values())))

</pallas_src>

<mosaic_0001>
#map = affine_map<(d0, d1) -> (0, 0)>
#map1 = affine_map<(d0, d1) -> (0)>
module attributes {stable_mosaic.version = 14 : i64} {
  func.func @_gather_body(%arg0: i32, %arg1: i32, %arg2: memref<20x16384xi32, #tpu.memory_space<hbm>>, %arg3: memref<67108864xf32, #tpu.memory_space<hbm>>, %arg4: memref<1048576xf32, #tpu.memory_space<hbm>>, %arg5: memref<20x512xi32, #tpu.memory_space<vmem>>, %arg6: memref<512xi32, #tpu.memory_space<vmem>>, %arg7: memref<32768xi32, #tpu.memory_space<vmem>>, %arg8: memref<32768xf32, #tpu.memory_space<vmem>>, %arg9: memref<!tpu.dma_semaphore, #tpu.memory_space<semaphore_mem>>, %arg10: memref<!tpu.dma_semaphore, #tpu.memory_space<semaphore_mem>>, %arg11: memref<!tpu.dma_semaphore, #tpu.memory_space<semaphore_mem>>, %arg12: memref<!tpu.dma_semaphore, #tpu.memory_space<semaphore_mem>>, %arg13: memref<!tpu.dma_semaphore, #tpu.memory_space<semaphore_mem>>, %arg14: memref<!tpu.dma_semaphore, #tpu.memory_space<semaphore_mem>>, %arg15: memref<!tpu.dma_semaphore, #tpu.memory_space<semaphore_mem>>, %arg16: memref<!tpu.dma_semaphore, #tpu.memory_space<semaphore_mem>>, %arg17: memref<!tpu.dma_semaphore, #tpu.memory_space<semaphore_mem>>) attributes {dimension_semantics = [#tpu.dimension_semantics<core_parallel>, #tpu.dimension_semantics<subcore_parallel>], iteration_bounds = array<i64: 2, 16>, scalar_prefetch = 0 : i64, scratch_operands = 13 : i64, tpu.core_type = #tpu.core_type<sc_vector_subcore>, window_params = [{transform_indices = #map}, {transform_indices = #map1}, {transform_indices = #map1}]} {
    %mul3A = arith.constant 2 : i32
    %mul3A_0 = arith.muli %arg1, %mul3A : i32
    %add3A = arith.addi %mul3A_0, %arg0 : i32
    %mul3A_1 = arith.constant 512 : i32
    %mul3A_2 = arith.muli %add3A, %mul3A_1 : i32
    "tpu.region"() ({
      %run_scoped3A = tpu.sem_alloc : memref<!tpu.dma_semaphore, #tpu.memory_space<semaphore_mem>>
      %dma_start3A_285 = arith.constant 0 : i32
      %dma_start3A_286 = tpu.memref_slice %arg2[%dma_start3A_285, %mul3A_2] : memref<20x16384xi32, #tpu.memory_space<hbm>> -> memref<20x512xi32, #tpu.memory_space<hbm>>
      %dma_start3A_287 = arith.constant 0 : i32
      %dma_start3A_288 = tpu.memref_slice %arg2[%dma_start3A_287, %mul3A_2] : memref<20x16384xi32, #tpu.memory_space<hbm>> -> memref<20x512xi32, #tpu.memory_space<hbm>>
      tpu.enqueue_dma source(%dma_start3A_288 : memref<20x512xi32, #tpu.memory_space<hbm>>) target(%arg5 : memref<20x512xi32, #tpu.memory_space<vmem>>) target_semaphore(%run_scoped3A : memref<!tpu.dma_semaphore, #tpu.memory_space<semaphore_mem>>)
      %dma_wait3A_289 = arith.constant 0 : i32
      %dma_wait3A_290 = tpu.memref_slice %arg2[%dma_wait3A_289, %mul3A_2] : memref<20x16384xi32, #tpu.memory_space<hbm>> -> memref<20x512xi32, #tpu.memory_space<hbm>>
      %dma_wait3A_291 = arith.constant 0 : i32
      %dma_wait3A_292 = tpu.memref_slice %arg2[%dma_wait3A_291, %mul3A_2] : memref<20x16384xi32, #tpu.memory_space<hbm>> -> memref<20x512xi32, #tpu.memory_space<hbm>>
      tpu.wait_dma2 semaphore(%run_scoped3A : memref<!tpu.dma_semaphore, #tpu.memory_space<semaphore_mem>>) src(%dma_wait3A_292 : memref<20x512xi32, #tpu.memory_space<hbm>>) dst(%arg5 : memref<20x512xi32, #tpu.memory_space<vmem>>)
      tpu.yield
    }) : () -> ()
    %scan3A = arith.constant 0 : i32
    %scan3A_3 = arith.constant 32 : i32
    %scan3A_4 = arith.addi %scan3A, %scan3A_3 : i32
    %scan3A_5 = arith.constant 1 : i32
    scf.for %scan3A_285 = %scan3A to %scan3A_4 step %scan3A_5  : i32 {
      %mul3A_286 = arith.constant 16 : i32
      %mul3A_287 = arith.muli %scan3A_285, %mul3A_286 : i32
      %get3A = arith.constant 0 : i32
      %get3A_288 = arith.index_cast %get3A : i32 to index
      %get3A_289 = arith.index_cast %mul3A_287 : i32 to index
      %get3A_290 = tpu.vector_load %arg5[%get3A_288, %get3A_289] {strides = array<i32>} : memref<20x512xi32, #tpu.memory_space<vmem>>, vector<1x16xi32>,
      %get3A_291 = vector.shape_cast %get3A_290 : vector<1x16xi32> to vector<16xi32>
      %mul3A_292 = arith.constant 16 : i32
      %mul3A_293 = arith.muli %scan3A_285, %mul3A_292 : i32
      %get3A_294 = arith.constant 1 : i32
      %get3A_295 = arith.index_cast %get3A_294 : i32 to index
      %get3A_296 = arith.index_cast %mul3A_293 : i32 to index
      %get3A_297 = tpu.vector_load %arg5[%get3A_295, %get3A_296] {strides = array<i32>} : memref<20x512xi32, #tpu.memory_space<vmem>>, vector<1x16xi32>,
      %get3A_298 = vector.shape_cast %get3A_297 : vector<1x16xi32> to vector<16xi32>
      %shift_left3A = arith.constant 1 : i32
      %shift_left3A_299 = vector.broadcast %shift_left3A : i32 to vector<16xi32>
      %shift_left3A_300 = arith.shli %get3A_298, %shift_left3A_299 : vector<16xi32>
      %add3A_301 = arith.addi %get3A_291, %shift_left3A_300 : vector<16xi32>
      %mul3A_302 = arith.constant 16 : i32
      %mul3A_303 = arith.muli %scan3A_285, %mul3A_302 : i32
      %get3A_304 = arith.constant 2 : i32
      %get3A_305 = arith.index_cast %get3A_304 : i32 to index
      %get3A_306 = arith.index_cast %mul3A_303 : i32 to index
      %get3A_307 = tpu.vector_load %arg5[%get3A_305, %get3A_306] {strides = array<i32>} : memref<20x512xi32, #tpu.memory_space<vmem>>, vector<1x16xi32>,
      %get3A_308 = vector.shape_cast %get3A_307 : vector<1x16xi32> to vector<16xi32>
      %shift_left3A_309 = arith.constant 2 : i32
      %shift_left3A_310 = vector.broadcast %shift_left3A_309 : i32 to vector<16xi32>
      %shift_left3A_311 = arith.shli %get3A_308, %shift_left3A_310 : vector<16xi32>
      %add3A_312 = arith.addi %add3A_301, %shift_left3A_311 : vector<16xi32>
      %mul3A_313 = arith.constant 16 : i32
      %mul3A_314 = arith.muli %scan3A_285, %mul3A_313 : i32
      %get3A_315 = arith.constant 3 : i32
      %get3A_316 = arith.index_cast %get3A_315 : i32 to index
      %get3A_317 = arith.index_cast %mul3A_314 : i32 to index
      %get3A_318 = tpu.vector_load %arg5[%get3A_316, %get3A_317] {strides = array<i32>} : memref<20x512xi32, #tpu.memory_space<vmem>>, vector<1x16xi32>,
      %get3A_319 = vector.shape_cast %get3A_318 : vector<1x16xi32> to vector<16xi32>
      %shift_left3A_320 = arith.constant 3 : i32
      %shift_left3A_321 = vector.broadcast %shift_left3A_320 : i32 to vector<16xi32>
      %shift_left3A_322 = arith.shli %get3A_319, %shift_left3A_321 : vector<16xi32>
      %add3A_323 = arith.addi %add3A_312, %shift_left3A_322 : vector<16xi32>
      %mul3A_324 = arith.constant 16 : i32
      %mul3A_325 = arith.muli %scan3A_285, %mul3A_324 : i32
      %get3A_326 = arith.constant 4 : i32
      %get3A_327 = arith.index_cast %get3A_326 : i32 to index
      %get3A_328 = arith.index_cast %mul3A_325 : i32 to index
      %get3A_329 = tpu.vector_load %arg5[%get3A_327, %get3A_328] {strides = array<i32>} : memref<20x512xi32, #tpu.memory_space<vmem>>, vector<1x16xi32>,
      %get3A_330 = vector.shape_cast %get3A_329 : vector<1x16xi32> to vector<16xi32>
      %shift_left3A_331 = arith.constant 4 : i32
      %shift_left3A_332 = vector.broadcast %shift_left3A_331 : i32 to vector<16xi32>
      %shift_left3A_333 = arith.shli %get3A_330, %shift_left3A_332 : vector<16xi32>
      %add3A_334 = arith.addi %add3A_323, %shift_left3A_333 : vector<16xi32>
      %mul3A_335 = arith.constant 16 : i32
      %mul3A_336 = arith.muli %scan3A_285, %mul3A_335 : i32
      %get3A_337 = arith.constant 5 : i32
      %get3A_338 = arith.index_cast %get3A_337 : i32 to index
      %get3A_339 = arith.index_cast %mul3A_336 : i32 to index
      %get3A_340 = tpu.vector_load %arg5[%get3A_338, %get3A_339] {strides = array<i32>} : memref<20x512xi32, #tpu.memory_space<vmem>>, vector<1x16xi32>,
      %get3A_341 = vector.shape_cast %get3A_340 : vector<1x16xi32> to vector<16xi32>
      %shift_left3A_342 = arith.constant 5 : i32
      %shift_left3A_343 = vector.broadcast %shift_left3A_342 : i32 to vector<16xi32>
      %shift_left3A_344 = arith.shli %get3A_341, %shift_left3A_343 : vector<16xi32>
      %add3A_345 = arith.addi %add3A_334, %shift_left3A_344 : vector<16xi32>
      %mul3A_346 = arith.constant 16 : i32
      %mul3A_347 = arith.muli %scan3A_285, %mul3A_346 : i32
      %get3A_348 = arith.constant 6 : i32
      %get3A_349 = arith.index_cast %get3A_348 : i32 to index
      %get3A_350 = arith.index_cast %mul3A_347 : i32 to index
      %get3A_351 = tpu.vector_load %arg5[%get3A_349, %get3A_350] {strides = array<i32>} : memref<20x512xi32, #tpu.memory_space<vmem>>, vector<1x16xi32>,
      %get3A_352 = vector.shape_cast %get3A_351 : vector<1x16xi32> to vector<16xi32>
      %shift_left3A_353 = arith.constant 6 : i32
      %shift_left3A_354 = vector.broadcast %shift_left3A_353 : i32 to vector<16xi32>
      %shift_left3A_355 = arith.shli %get3A_352, %shift_left3A_354 : vector<16xi32>
      %add3A_356 = arith.addi %add3A_345, %shift_left3A_355 : vector<16xi32>
      %mul3A_357 = arith.constant 16 : i32
      %mul3A_358 = arith.muli %scan3A_285, %mul3A_357 : i32
      %get3A_359 = arith.constant 7 : i32
      %get3A_360 = arith.index_cast %get3A_359 : i32 to index
      %get3A_361 = arith.index_cast %mul3A_358 : i32 to index
      %get3A_362 = tpu.vector_load %arg5[%get3A_360, %get3A_361] {strides = array<i32>} : memref<20x512xi32, #tpu.memory_space<vmem>>, vector<1x16xi32>,
      %get3A_363 = vector.shape_cast %get3A_362 : vector<1x16xi32> to vector<16xi32>
      %shift_left3A_364 = arith.constant 7 : i32
      %shift_left3A_365 = vector.broadcast %shift_left3A_364 : i32 to vector<16xi32>
      %shift_left3A_366 = arith.shli %get3A_363, %shift_left3A_365 : vector<16xi32>
      %add3A_367 = arith.addi %add3A_356, %shift_left3A_366 : vector<16xi32>
      %mul3A_368 = arith.constant 16 : i32
      %mul3A_369 = arith.muli %scan3A_285, %mul3A_368 : i32
      %get3A_370 = arith.constant 8 : i32
      %get3A_371 = arith.index_cast %get3A_370 : i32 to index
      %get3A_372 = arith.index_cast %mul3A_369 : i32 to index
      %get3A_373 = tpu.vector_load %arg5[%get3A_371, %get3A_372] {strides = array<i32>} : memref<20x512xi32, #tpu.memory_space<vmem>>, vector<1x16xi32>,
      %get3A_374 = vector.shape_cast %get3A_373 : vector<1x16xi32> to vector<16xi32>
      %shift_left3A_375 = arith.constant 8 : i32
      %shift_left3A_376 = vector.broadcast %shift_left3A_375 : i32 to vector<16xi32>
      %shift_left3A_377 = arith.shli %get3A_374, %shift_left3A_376 : vector<16xi32>
      %add3A_378 = arith.addi %add3A_367, %shift_left3A_377 : vector<16xi32>
      %mul3A_379 = arith.constant 16 : i32
      %mul3A_380 = arith.muli %scan3A_285, %mul3A_379 : i32
      %get3A_381 = arith.constant 9 : i32
      %get3A_382 = arith.index_cast %get3A_381 : i32 to index
      %get3A_383 = arith.index_cast %mul3A_380 : i32 to index
      %get3A_384 = tpu.vector_load %arg5[%get3A_382, %get3A_383] {strides = array<i32>} : memref<20x512xi32, #tpu.memory_space<vmem>>, vector<1x16xi32>,
      %get3A_385 = vector.shape_cast %get3A_384 : vector<1x16xi32> to vector<16xi32>
      %shift_left3A_386 = arith.constant 9 : i32
      %shift_left3A_387 = vector.broadcast %shift_left3A_386 : i32 to vector<16xi32>
      %shift_left3A_388 = arith.shli %get3A_385, %shift_left3A_387 : vector<16xi32>
      %add3A_389 = arith.addi %add3A_378, %shift_left3A_388 : vector<16xi32>
      %mul3A_390 = arith.constant 16 : i32
      %mul3A_391 = arith.muli %scan3A_285, %mul3A_390 : i32
      %get3A_392 = arith.constant 10 : i32
      %get3A_393 = arith.index_cast %get3A_392 : i32 to index
      %get3A_394 = arith.index_cast %mul3A_391 : i32 to index
      %get3A_395 = tpu.vector_load %arg5[%get3A_393, %get3A_394] {strides = array<i32>} : memref<20x512xi32, #tpu.memory_space<vmem>>, vector<1x16xi32>,
      %get3A_396 = vector.shape_cast %get3A_395 : vector<1x16xi32> to vector<16xi32>
      %shift_left3A_397 = arith.constant 10 : i32
      %shift_left3A_398 = vector.broadcast %shift_left3A_397 : i32 to vector<16xi32>
      %shift_left3A_399 = arith.shli %get3A_396, %shift_left3A_398 : vector<16xi32>
      %add3A_400 = arith.addi %add3A_389, %shift_left3A_399 : vector<16xi32>
      %mul3A_401 = arith.constant 16 : i32
      %mul3A_402 = arith.muli %scan3A_285, %mul3A_401 : i32
      %get3A_403 = arith.constant 11 : i32
      %get3A_404 = arith.index_cast %get3A_403 : i32 to index
      %get3A_405 = arith.index_cast %mul3A_402 : i32 to index
      %get3A_406 = tpu.vector_load %arg5[%get3A_404, %get3A_405] {strides = array<i32>} : memref<20x512xi32, #tpu.memory_space<vmem>>, vector<1x16xi32>,
      %get3A_407 = vector.shape_cast %get3A_406 : vector<1x16xi32> to vector<16xi32>
      %shift_left3A_408 = arith.constant 11 : i32
      %shift_left3A_409 = vector.broadcast %shift_left3A_408 : i32 to vector<16xi32>
      %shift_left3A_410 = arith.shli %get3A_407, %shift_left3A_409 : vector<16xi32>
      %add3A_411 = arith.addi %add3A_400, %shift_left3A_410 : vector<16xi32>
      %mul3A_412 = arith.constant 16 : i32
      %mul3A_413 = arith.muli %scan3A_285, %mul3A_412 : i32
      %get3A_414 = arith.constant 12 : i32
      %get3A_415 = arith.index_cast %get3A_414 : i32 to index
      %get3A_416 = arith.index_cast %mul3A_413 : i32 to index
      %get3A_417 = tpu.vector_load %arg5[%get3A_415, %get3A_416] {strides = array<i32>} : memref<20x512xi32, #tpu.memory_space<vmem>>, vector<1x16xi32>,
      %get3A_418 = vector.shape_cast %get3A_417 : vector<1x16xi32> to vector<16xi32>
      %shift_left3A_419 = arith.constant 12 : i32
      %shift_left3A_420 = vector.broadcast %shift_left3A_419 : i32 to vector<16xi32>
      %shift_left3A_421 = arith.shli %get3A_418, %shift_left3A_420 : vector<16xi32>
      %add3A_422 = arith.addi %add3A_411, %shift_left3A_421 : vector<16xi32>
      %mul3A_423 = arith.constant 16 : i32
      %mul3A_424 = arith.muli %scan3A_285, %mul3A_423 : i32
      %get3A_425 = arith.constant 13 : i32
      %get3A_426 = arith.index_cast %get3A_425 : i32 to index
      %get3A_427 = arith.index_cast %mul3A_424 : i32 to index
      %get3A_428 = tpu.vector_load %arg5[%get3A_426, %get3A_427] {strides = array<i32>} : memref<20x512xi32, #tpu.memory_space<vmem>>, vector<1x16xi32>,
      %get3A_429 = vector.shape_cast %get3A_428 : vector<1x16xi32> to vector<16xi32>
      %shift_left3A_430 = arith.constant 13 : i32
      %shift_left3A_431 = vector.broadcast %shift_left3A_430 : i32 to vector<16xi32>
      %shift_left3A_432 = arith.shli %get3A_429, %shift_left3A_431 : vector<16xi32>
      %add3A_433 = arith.addi %add3A_422, %shift_left3A_432 : vector<16xi32>
      %mul3A_434 = arith.constant 16 : i32
      %mul3A_435 = arith.muli %scan3A_285, %mul3A_434 : i32
      %get3A_436 = arith.constant 14 : i32
      %get3A_437 = arith.index_cast %get3A_436 : i32 to index
      %get3A_438 = arith.index_cast %mul3A_435 : i32 to index
      %get3A_439 = tpu.vector_load %arg5[%get3A_437, %get3A_438] {strides = array<i32>} : memref<20x512xi32, #tpu.memory_space<vmem>>, vector<1x16xi32>,
      %get3A_440 = vector.shape_cast %get3A_439 : vector<1x16xi32> to vector<16xi32>
      %shift_left3A_441 = arith.constant 14 : i32
      %shift_left3A_442 = vector.broadcast %shift_left3A_441 : i32 to vector<16xi32>
      %shift_left3A_443 = arith.shli %get3A_440, %shift_left3A_442 : vector<16xi32>
      %add3A_444 = arith.addi %add3A_433, %shift_left3A_443 : vector<16xi32>
      %mul3A_445 = arith.constant 16 : i32
      %mul3A_446 = arith.muli %scan3A_285, %mul3A_445 : i32
      %get3A_447 = arith.constant 15 : i32
      %get3A_448 = arith.index_cast %get3A_447 : i32 to index
      %get3A_449 = arith.index_cast %mul3A_446 : i32 to index
      %get3A_450 = tpu.vector_load %arg5[%get3A_448, %get3A_449] {strides = array<i32>} : memref<20x512xi32, #tpu.memory_space<vmem>>, vector<1x16xi32>,
      %get3A_451 = vector.shape_cast %get3A_450 : vector<1x16xi32> to vector<16xi32>
      %shift_left3A_452 = arith.constant 15 : i32
      %shift_left3A_453 = vector.broadcast %shift_left3A_452 : i32 to vector<16xi32>
      %shift_left3A_454 = arith.shli %get3A_451, %shift_left3A_453 : vector<16xi32>
      %add3A_455 = arith.addi %add3A_444, %shift_left3A_454 : vector<16xi32>
      %mul3A_456 = arith.constant 16 : i32
      %mul3A_457 = arith.muli %scan3A_285, %mul3A_456 : i32
      %get3A_458 = arith.constant 16 : i32
      %get3A_459 = arith.index_cast %get3A_458 : i32 to index
      %get3A_460 = arith.index_cast %mul3A_457 : i32 to index
      %get3A_461 = tpu.vector_load %arg5[%get3A_459, %get3A_460] {strides = array<i32>} : memref<20x512xi32, #tpu.memory_space<vmem>>, vector<1x16xi32>,
      %get3A_462 = vector.shape_cast %get3A_461 : vector<1x16xi32> to vector<16xi32>
      %shift_left3A_463 = arith.constant 16 : i32
      %shift_left3A_464 = vector.broadcast %shift_left3A_463 : i32 to vector<16xi32>
      %shift_left3A_465 = arith.shli %get3A_462, %shift_left3A_464 : vector<16xi32>
      %add3A_466 = arith.addi %add3A_455, %shift_left3A_465 : vector<16xi32>
      %mul3A_467 = arith.constant 16 : i32
      %mul3A_468 = arith.muli %scan3A_285, %mul3A_467 : i32
      %get3A_469 = arith.constant 17 : i32
      %get3A_470 = arith.index_cast %get3A_469 : i32 to index
      %get3A_471 = arith.index_cast %mul3A_468 : i32 to index
      %get3A_472 = tpu.vector_load %arg5[%get3A_470, %get3A_471] {strides = array<i32>} : memref<20x512xi32, #tpu.memory_space<vmem>>, vector<1x16xi32>,
      %get3A_473 = vector.shape_cast %get3A_472 : vector<1x16xi32> to vector<16xi32>
      %shift_left3A_474 = arith.constant 17 : i32
      %shift_left3A_475 = vector.broadcast %shift_left3A_474 : i32 to vector<16xi32>
      %shift_left3A_476 = arith.shli %get3A_473, %shift_left3A_475 : vector<16xi32>
      %add3A_477 = arith.addi %add3A_466, %shift_left3A_476 : vector<16xi32>
      %mul3A_478 = arith.constant 16 : i32
      %mul3A_479 = arith.muli %scan3A_285, %mul3A_478 : i32
      %get3A_480 = arith.constant 18 : i32
      %get3A_481 = arith.index_cast %get3A_480 : i32 to index
      %get3A_482 = arith.index_cast %mul3A_479 : i32 to index
      %get3A_483 = tpu.vector_load %arg5[%get3A_481, %get3A_482] {strides = array<i32>} : memref<20x512xi32, #tpu.memory_space<vmem>>, vector<1x16xi32>,
      %get3A_484 = vector.shape_cast %get3A_483 : vector<1x16xi32> to vector<16xi32>
      %shift_left3A_485 = arith.constant 18 : i32
      %shift_left3A_486 = vector.broadcast %shift_left3A_485 : i32 to vector<16xi32>
      %shift_left3A_487 = arith.shli %get3A_484, %shift_left3A_486 : vector<16xi32>
      %add3A_488 = arith.addi %add3A_477, %shift_left3A_487 : vector<16xi32>
      %mul3A_489 = arith.constant 16 : i32
      %mul3A_490 = arith.muli %scan3A_285, %mul3A_489 : i32
      %get3A_491 = arith.constant 19 : i32
      %get3A_492 = arith.index_cast %get3A_491 : i32 to index
      %get3A_493 = arith.index_cast %mul3A_490 : i32 to index
      %get3A_494 = tpu.vector_load %arg5[%get3A_492, %get3A_493] {strides = array<i32>} : memref<20x512xi32, #tpu.memory_space<vmem>>, vector<1x16xi32>,
      %get3A_495 = vector.shape_cast %get3A_494 : vector<1x16xi32> to vector<16xi32>
      %shift_left3A_496 = arith.constant 19 : i32
      %shift_left3A_497 = vector.broadcast %shift_left3A_496 : i32 to vector<16xi32>
      %shift_left3A_498 = arith.shli %get3A_495, %shift_left3A_497 : vector<16xi32>
      %add3A_499 = arith.addi %add3A_488, %shift_left3A_498 : vector<16xi32>
      %shift_right_arithmetic3A = arith.constant 7 : i32
      %shift_right_arithmetic3A_500 = vector.broadcast %shift_right_arithmetic3A : i32 to vector<16xi32>
      %shift_right_arithmetic3A_501 = arith.shrsi %add3A_499, %shift_right_arithmetic3A_500 : vector<16xi32>
      %mul3A_502 = arith.constant 1024 : i32
      %mul3A_503 = vector.broadcast %mul3A_502 : i32 to vector<16xi32>
      %mul3A_504 = arith.muli %shift_right_arithmetic3A_501, %mul3A_503 : vector<16xi32>
      %and3A = arith.constant 127 : i32
      %and3A_505 = vector.broadcast %and3A : i32 to vector<16xi32>
      %and3A_506 = arith.andi %add3A_499, %and3A_505 : vector<16xi32>
      %add3A_507 = arith.addi %mul3A_504, %and3A_506 : vector<16xi32>
      %mul3A_508 = arith.constant 16 : i32
      %mul3A_509 = arith.muli %scan3A_285, %mul3A_508 : i32
      %swap3A = arith.index_cast %mul3A_509 : i32 to index
      %swap3A_510 = tpu.vector_load %arg6[%swap3A] {strides = array<i32>} : memref<512xi32, #tpu.memory_space<vmem>>, vector<16xi32>,
      %swap3A_511 = vector.shape_cast %swap3A_510 : vector<16xi32> to vector<16xi32>
      %swap3A_512 = vector.shape_cast %add3A_507 : vector<16xi32> to vector<16xi32>
      tpu.vector_store %arg6[%swap3A], %swap3A_512 {strides = array<i32>} : memref<512xi32, #tpu.memory_space<vmem>>, vector<16xi32>,
    }
    %scan3A_6 = arith.constant 32 : i32
    %scan3A_7 = arith.constant 0 : i32
    %scan3A_8 = arith.constant 32 : i32
    %scan3A_9 = arith.addi %scan3A_7, %scan3A_8 : i32
    %scan3A_10 = arith.constant 1 : i32
    scf.for %scan3A_285 = %scan3A_7 to %scan3A_9 step %scan3A_10  : i32 {
      %jit3A = arith.constant 8 : i32
      %div3A = arith.divsi %scan3A_285, %jit3A : i32
      %sign3A = arith.constant 0 : i32
      %sign3A_286 = arith.cmpi sgt, %scan3A_285, %sign3A : i32
      %sign3A_287 = arith.extui %sign3A_286 : i1 to i32
      %sign3A_288 = arith.constant 0 : i32
      %sign3A_289 = arith.cmpi slt, %scan3A_285, %sign3A_288 : i32
      %sign3A_290 = arith.extui %sign3A_289 : i1 to i32
      %sign3A_291 = arith.subi %sign3A_287, %sign3A_290 : i32
      %sign3A_292 = arith.constant 0 : i32
      %sign3A_293 = arith.cmpi sgt, %jit3A, %sign3A_292 : i32
      %sign3A_294 = arith.extui %sign3A_293 : i1 to i32
      %sign3A_295 = arith.constant 0 : i32
      %sign3A_296 = arith.cmpi slt, %jit3A, %sign3A_295 : i32
      %sign3A_297 = arith.extui %sign3A_296 : i1 to i32
      %sign3A_298 = arith.subi %sign3A_294, %sign3A_297 : i32
      %ne3A = arith.cmpi ne, %sign3A_291, %sign3A_298 : i32
      %rem3A = arith.remsi %scan3A_285, %jit3A : i32
      %ne3A_299 = arith.constant 0 : i32
      %ne3A_300 = arith.cmpi ne, %rem3A, %ne3A_299 : i32
      %and3A = arith.andi %ne3A, %ne3A_300 : i1
      %sub3A = arith.constant 1 : i32
      %sub3A_301 = arith.subi %div3A, %sub3A : i32
      %select_n3A = arith.select %and3A, %sub3A_301, %div3A : i32
      %jit3A_302 = arith.constant 8 : i32
      %eq3A = arith.constant 0 : i32
      %eq3A_303 = arith.cmpi eq, %jit3A_302, %eq3A : i32
      %jit3A_304 = arith.constant 1 : i32
      %select_n3A_305 = arith.select %eq3A_303, %jit3A_304, %jit3A_302 : i32
      %rem3A_306 = arith.remsi %scan3A_285, %select_n3A_305 : i32
      %ne3A_307 = arith.constant 0 : i32
      %ne3A_308 = arith.cmpi ne, %rem3A_306, %ne3A_307 : i32
      %lt3A = arith.constant 0 : i32
      %lt3A_309 = arith.cmpi slt, %rem3A_306, %lt3A : i32
      %lt3A_310 = arith.constant 0 : i32
      %lt3A_311 = arith.cmpi slt, %select_n3A_305, %lt3A_310 : i32
      %ne3A_312 = arith.xori %lt3A_309, %lt3A_311 : i1
      %and3A_313 = arith.andi %ne3A_312, %ne3A_308 : i1
      %add3A_314 = arith.addi %rem3A_306, %select_n3A_305 : i32
      %select_n3A_315 = arith.select %and3A_313, %add3A_314, %rem3A_306 : i32
      %mul3A_316 = arith.constant 128 : i32
      %mul3A_317 = arith.muli %select_n3A, %mul3A_316 : i32
      %mul3A_318 = arith.constant 16 : i32
      %mul3A_319 = arith.muli %select_n3A_315, %mul3A_318 : i32
      %add3A_320 = arith.addi %mul3A_317, %mul3A_319 : i32
      %get3A = arith.index_cast %add3A_320 : i32 to index
      %get3A_321 = tpu.vector_load %arg6[%get3A] {strides = array<i32>} : memref<512xi32, #tpu.memory_space<vmem>>, vector<16xi32>,
      %get3A_322 = vector.shape_cast %get3A_321 : vector<16xi32> to vector<16xi32>
      %mul3A_323 = arith.constant 1024 : i32
      %mul3A_324 = arith.muli %select_n3A, %mul3A_323 : i32
      %add3A_325 = arith.constant 0 : i32
      %add3A_326 = arith.addi %add3A_325, %mul3A_324 : i32
      %add3A_327 = arith.constant 0 : i32
      %add3A_328 = arith.addi %add3A_326, %add3A_327 : i32
      %mul3A_329 = arith.constant 16 : i32
      %mul3A_330 = arith.muli %select_n3A_315, %mul3A_329 : i32
      %add3A_331 = arith.addi %add3A_328, %mul3A_330 : i32
      %add3A_332 = arith.constant 0 : i32
      %add3A_333 = vector.broadcast %add3A_332 : i32 to vector<16xi32>
      %add3A_334 = arith.addi %get3A_322, %add3A_333 : vector<16xi32>
      %swap3A = arith.index_cast %add3A_331 : i32 to index
      %swap3A_335 = tpu.vector_load %arg7[%swap3A] {strides = array<i32>} : memref<32768xi32, #tpu.memory_space<vmem>>, vector<16xi32>,
      %swap3A_336 = vector.shape_cast %swap3A_335 : vector<16xi32> to vector<16xi32>
      %swap3A_337 = vector.shape_cast %add3A_334 : vector<16xi32> to vector<16xi32>
      tpu.vector_store %arg7[%swap3A], %swap3A_337 {strides = array<i32>} : memref<32768xi32, #tpu.memory_space<vmem>>, vector<16xi32>,
      %mul3A_338 = arith.constant 1024 : i32
      %mul3A_339 = arith.muli %select_n3A, %mul3A_338 : i32
      %add3A_340 = arith.constant 0 : i32
      %add3A_341 = arith.addi %add3A_340, %mul3A_339 : i32
      %add3A_342 = arith.constant 128 : i32
      %add3A_343 = arith.addi %add3A_341, %add3A_342 : i32
      %mul3A_344 = arith.constant 16 : i32
      %mul3A_345 = arith.muli %select_n3A_315, %mul3A_344 : i32
      %add3A_346 = arith.addi %add3A_343, %mul3A_345 : i32
      %add3A_347 = arith.constant 128 : i32
      %add3A_348 = vector.broadcast %add3A_347 : i32 to vector<16xi32>
      %add3A_349 = arith.addi %get3A_322, %add3A_348 : vector<16xi32>
      %swap3A_350 = arith.index_cast %add3A_346 : i32 to index
      %swap3A_351 = tpu.vector_load %arg7[%swap3A_350] {strides = array<i32>} : memref<32768xi32, #tpu.memory_space<vmem>>, vector<16xi32>,
      %swap3A_352 = vector.shape_cast %swap3A_351 : vector<16xi32> to vector<16xi32>
      %swap3A_353 = vector.shape_cast %add3A_349 : vector<16xi32> to vector<16xi32>
      tpu.vector_store %arg7[%swap3A_350], %swap3A_353 {strides = array<i32>} : memref<32768xi32, #tpu.memory_space<vmem>>, vector<16xi32>,
      %mul3A_354 = arith.constant 1024 : i32
      %mul3A_355 = arith.muli %select_n3A, %mul3A_354 : i32
      %add3A_356 = arith.constant 0 : i32
      %add3A_357 = arith.addi %add3A_356, %mul3A_355 : i32
      %add3A_358 = arith.constant 256 : i32
      %add3A_359 = arith.addi %add3A_357, %add3A_358 : i32
      %mul3A_360 = arith.constant 16 : i32
      %mul3A_361 = arith.muli %select_n3A_315, %mul3A_360 : i32
      %add3A_362 = arith.addi %add3A_359, %mul3A_361 : i32
      %add3A_363 = arith.constant 256 : i32
      %add3A_364 = vector.broadcast %add3A_363 : i32 to vector<16xi32>
      %add3A_365 = arith.addi %get3A_322, %add3A_364 : vector<16xi32>
      %swap3A_366 = arith.index_cast %add3A_362 : i32 to index
      %swap3A_367 = tpu.vector_load %arg7[%swap3A_366] {strides = array<i32>} : memref<32768xi32, #tpu.memory_space<vmem>>, vector<16xi32>,
      %swap3A_368 = vector.shape_cast %swap3A_367 : vector<16xi32> to vector<16xi32>
      %swap3A_369 = vector.shape_cast %add3A_365 : vector<16xi32> to vector<16xi32>
      tpu.vector_store %arg7[%swap3A_366], %swap3A_369 {strides = array<i32>} : memref<32768xi32, #tpu.memory_space<vmem>>, vector<16xi32>,
      %mul3A_370 = arith.constant 1024 : i32
      %mul3A_371 = arith.muli %select_n3A, %mul3A_370 : i32
      %add3A_372 = arith.constant 0 : i32
      %add3A_373 = arith.addi %add3A_372, %mul3A_371 : i32
      %add3A_374 = arith.constant 384 : i32
      %add3A_375 = arith.addi %add3A_373, %add3A_374 : i32
      %mul3A_376 = arith.constant 16 : i32
      %mul3A_377 = arith.muli %select_n3A_315, %mul3A_376 : i32
      %add3A_378 = arith.addi %add3A_375, %mul3A_377 : i32
      %add3A_379 = arith.constant 384 : i32
      %add3A_380 = vector.broadcast %add3A_379 : i32 to vector<16xi32>
      %add3A_381 = arith.addi %get3A_322, %add3A_380 : vector<16xi32>
      %swap3A_382 = arith.index_cast %add3A_378 : i32 to index
      %swap3A_383 = tpu.vector_load %arg7[%swap3A_382] {strides = array<i32>} : memref<32768xi32, #tpu.memory_space<vmem>>, vector<16xi32>,
      %swap3A_384 = vector.shape_cast %swap3A_383 : vector<16xi32> to vector<16xi32>
      %swap3A_385 = vector.shape_cast %add3A_381 : vector<16xi32> to vector<16xi32>
      tpu.vector_store %arg7[%swap3A_382], %swap3A_385 {strides = array<i32>} : memref<32768xi32, #tpu.memory_space<vmem>>, vector<16xi32>,
      %mul3A_386 = arith.constant 1024 : i32
      %mul3A_387 = arith.muli %select_n3A, %mul3A_386 : i32
      %add3A_388 = arith.constant 0 : i32
      %add3A_389 = arith.addi %add3A_388, %mul3A_387 : i32
      %add3A_390 = arith.constant 512 : i32
      %add3A_391 = arith.addi %add3A_389, %add3A_390 : i32
      %mul3A_392 = arith.constant 16 : i32
      %mul3A_393 = arith.muli %select_n3A_315, %mul3A_392 : i32
      %add3A_394 = arith.addi %add3A_391, %mul3A_393 : i32
      %add3A_395 = arith.constant 512 : i32
      %add3A_396 = vector.broadcast %add3A_395 : i32 to vector<16xi32>
      %add3A_397 = arith.addi %get3A_322, %add3A_396 : vector<16xi32>
      %swap3A_398 = arith.index_cast %add3A_394 : i32 to index
      %swap3A_399 = tpu.vector_load %arg7[%swap3A_398] {strides = array<i32>} : memref<32768xi32, #tpu.memory_space<vmem>>, vector<16xi32>,
      %swap3A_400 = vector.shape_cast %swap3A_399 : vector<16xi32> to vector<16xi32>
      %swap3A_401 = vector.shape_cast %add3A_397 : vector<16xi32> to vector<16xi32>
      tpu.vector_store %arg7[%swap3A_398], %swap3A_401 {strides = array<i32>} : memref<32768xi32, #tpu.memory_space<vmem>>, vector<16xi32>,
      %mul3A_402 = arith.constant 1024 : i32
      %mul3A_403 = arith.muli %select_n3A, %mul3A_402 : i32
      %add3A_404 = arith.constant 0 : i32
      %add3A_405 = arith.addi %add3A_404, %mul3A_403 : i32
      %add3A_406 = arith.constant 640 : i32
      %add3A_407 = arith.addi %add3A_405, %add3A_406 : i32
      %mul3A_408 = arith.constant 16 : i32
      %mul3A_409 = arith.muli %select_n3A_315, %mul3A_408 : i32
      %add3A_410 = arith.addi %add3A_407, %mul3A_409 : i32
      %add3A_411 = arith.constant 640 : i32
      %add3A_412 = vector.broadcast %add3A_411 : i32 to vector<16xi32>
      %add3A_413 = arith.addi %get3A_322, %add3A_412 : vector<16xi32>
      %swap3A_414 = arith.index_cast %add3A_410 : i32 to index
      %swap3A_415 = tpu.vector_load %arg7[%swap3A_414] {strides = array<i32>} : memref<32768xi32, #tpu.memory_space<vmem>>, vector<16xi32>,
      %swap3A_416 = vector.shape_cast %swap3A_415 : vector<16xi32> to vector<16xi32>
      %swap3A_417 = vector.shape_cast %add3A_413 : vector<16xi32> to vector<16xi32>
      tpu.vector_store %arg7[%swap3A_414], %swap3A_417 {strides = array<i32>} : memref<32768xi32, #tpu.memory_space<vmem>>, vector<16xi32>,
      %mul3A_418 = arith.constant 1024 : i32
      %mul3A_419 = arith.muli %select_n3A, %mul3A_418 : i32
      %add3A_420 = arith.constant 0 : i32
      %add3A_421 = arith.addi %add3A_420, %mul3A_419 : i32
      %add3A_422 = arith.constant 768 : i32
      %add3A_423 = arith.addi %add3A_421, %add3A_422 : i32
      %mul3A_424 = arith.constant 16 : i32
      %mul3A_425 = arith.muli %select_n3A_315, %mul3A_424 : i32
      %add3A_426 = arith.addi %add3A_423, %mul3A_425 : i32
      %add3A_427 = arith.constant 768 : i32
      %add3A_428 = vector.broadcast %add3A_427 : i32 to vector<16xi32>
      %add3A_429 = arith.addi %get3A_322, %add3A_428 : vector<16xi32>
      %swap3A_430 = arith.index_cast %add3A_426 : i32 to index
      %swap3A_431 = tpu.vector_load %arg7[%swap3A_430] {strides = array<i32>} : memref<32768xi32, #tpu.memory_space<vmem>>, vector<16xi32>,
      %swap3A_432 = vector.shape_cast %swap3A_431 : vector<16xi32> to vector<16xi32>
      %swap3A_433 = vector.shape_cast %add3A_429 : vector<16xi32> to vector<16xi32>
      tpu.vector_store %arg7[%swap3A_430], %swap3A_433 {strides = array<i32>} : memref<32768xi32, #tpu.memory_space<vmem>>, vector<16xi32>,
      %mul3A_434 = arith.constant 1024 : i32
      %mul3A_435 = arith.muli %select_n3A, %mul3A_434 : i32
      %add3A_436 = arith.constant 0 : i32
      %add3A_437 = arith.addi %add3A_436, %mul3A_435 : i32
      %add3A_438 = arith.constant 896 : i32
      %add3A_439 = arith.addi %add3A_437, %add3A_438 : i32
      %mul3A_440 = arith.constant 16 : i32
      %mul3A_441 = arith.muli %select_n3A_315, %mul3A_440 : i32
      %add3A_442 = arith.addi %add3A_439, %mul3A_441 : i32
      %add3A_443 = arith.constant 896 : i32
      %add3A_444 = vector.broadcast %add3A_443 : i32 to vector<16xi32>
      %add3A_445 = arith.addi %get3A_322, %add3A_444 : vector<16xi32>
      %swap3A_446 = arith.index_cast %add3A_442 : i32 to index
      %swap3A_447 = tpu.vector_load %arg7[%swap3A_446] {strides = array<i32>} : memref<32768xi32, #tpu.memory_space<vmem>>, vector<16xi32>,
      %swap3A_448 = vector.shape_cast %swap3A_447 : vector<16xi32> to vector<16xi32>
      %swap3A_449 = vector.shape_cast %add3A_445 : vector<16xi32> to vector<16xi32>
      tpu.vector_store %arg7[%swap3A_446], %swap3A_449 {strides = array<i32>} : memref<32768xi32, #tpu.memory_space<vmem>>, vector<16xi32>,
    }
    %scan3A_11 = arith.constant 32 : i32
    %dma_start3A = arith.constant 0 : i32
    %dma_start3A_12 = tpu.memref_slice %arg8[%dma_start3A] : memref<32768xf32, #tpu.memory_space<vmem>> -> memref<4096xf32, #tpu.memory_space<vmem>>
    %dma_start3A_13 = arith.constant 0 : i32
    %dma_start3A_14 = tpu.memref_slice %arg7[%dma_start3A_13] : memref<32768xi32, #tpu.memory_space<vmem>> -> memref<4096xi32, #tpu.memory_space<vmem>>
    %dma_start3A_15 = arith.constant 0 : i32
    %dma_start3A_16 = tpu.memref_slice %arg3[%dma_start3A_15] : memref<67108864xf32, #tpu.memory_space<hbm>> -> memref<67108864xf32, #tpu.memory_space<hbm>>
    tpu.enqueue_indirect_dma source(%dma_start3A_16 : memref<67108864xf32, #tpu.memory_space<hbm>>) target(%dma_start3A_12 : memref<4096xf32, #tpu.memory_space<vmem>>) offsets(%dma_start3A_14 : memref<4096xi32, #tpu.memory_space<vmem>>) semaphore(%arg10 : memref<!tpu.dma_semaphore, #tpu.memory_space<semaphore_mem>>)
    %scan3A_17 = arith.constant 0 : i32
    %scan3A_18 = arith.constant 32 : i32
    %scan3A_19 = arith.addi %scan3A_17, %scan3A_18 : i32
    %scan3A_20 = arith.constant 1 : i32
    scf.for %scan3A_285 = %scan3A_17 to %scan3A_19 step %scan3A_20  : i32 {
      %jit3A = arith.constant 8 : i32
      %div3A = arith.divsi %scan3A_285, %jit3A : i32
      %sign3A = arith.constant 0 : i32
      %sign3A_286 = arith.cmpi sgt, %scan3A_285, %sign3A : i32
      %sign3A_287 = arith.extui %sign3A_286 : i1 to i32
      %sign3A_288 = arith.constant 0 : i32
      %sign3A_289 = arith.cmpi slt, %scan3A_285, %sign3A_288 : i32
      %sign3A_290 = arith.extui %sign3A_289 : i1 to i32
      %sign3A_291 = arith.subi %sign3A_287, %sign3A_290 : i32
      %sign3A_292 = arith.constant 0 : i32
      %sign3A_293 = arith.cmpi sgt, %jit3A, %sign3A_292 : i32
      %sign3A_294 = arith.extui %sign3A_293 : i1 to i32
      %sign3A_295 = arith.constant 0 : i32
      %sign3A_296 = arith.cmpi slt, %jit3A, %sign3A_295 : i32
      %sign3A_297 = arith.extui %sign3A_296 : i1 to i32
      %sign3A_298 = arith.subi %sign3A_294, %sign3A_297 : i32
      %ne3A = arith.cmpi ne, %sign3A_291, %sign3A_298 : i32
      %rem3A = arith.remsi %scan3A_285, %jit3A : i32
      %ne3A_299 = arith.constant 0 : i32
      %ne3A_300 = arith.cmpi ne, %rem3A, %ne3A_299 : i32
      %and3A = arith.andi %ne3A, %ne3A_300 : i1
      %sub3A = arith.constant 1 : i32
      %sub3A_301 = arith.subi %div3A, %sub3A : i32
      %select_n3A = arith.select %and3A, %sub3A_301, %div3A : i32
      %jit3A_302 = arith.constant 8 : i32
      %eq3A = arith.constant 0 : i32
      %eq3A_303 = arith.cmpi eq, %jit3A_302, %eq3A : i32
      %jit3A_304 = arith.constant 1 : i32
      %select_n3A_305 = arith.select %eq3A_303, %jit3A_304, %jit3A_302 : i32
      %rem3A_306 = arith.remsi %scan3A_285, %select_n3A_305 : i32
      %ne3A_307 = arith.constant 0 : i32
      %ne3A_308 = arith.cmpi ne, %rem3A_306, %ne3A_307 : i32
      %lt3A = arith.constant 0 : i32
      %lt3A_309 = arith.cmpi slt, %rem3A_306, %lt3A : i32
      %lt3A_310 = arith.constant 0 : i32
      %lt3A_311 = arith.cmpi slt, %select_n3A_305, %lt3A_310 : i32
      %ne3A_312 = arith.xori %lt3A_309, %lt3A_311 : i1
      %and3A_313 = arith.andi %ne3A_312, %ne3A_308 : i1
      %add3A_314 = arith.addi %rem3A_306, %select_n3A_305 : i32
      %select_n3A_315 = arith.select %and3A_313, %add3A_314, %rem3A_306 : i32
      %mul3A_316 = arith.constant 128 : i32
      %mul3A_317 = arith.muli %select_n3A, %mul3A_316 : i32
      %mul3A_318 = arith.constant 16 : i32
      %mul3A_319 = arith.muli %select_n3A_315, %mul3A_318 : i32
      %add3A_320 = arith.addi %mul3A_317, %mul3A_319 : i32
      %get3A = arith.index_cast %add3A_320 : i32 to index
      %get3A_321 = tpu.vector_load %arg6[%get3A] {strides = array<i32>} : memref<512xi32, #tpu.memory_space<vmem>>, vector<16xi32>,
      %get3A_322 = vector.shape_cast %get3A_321 : vector<16xi32> to vector<16xi32>
      %mul3A_323 = arith.constant 1024 : i32
      %mul3A_324 = arith.muli %select_n3A, %mul3A_323 : i32
      %add3A_325 = arith.constant 4096 : i32
      %add3A_326 = arith.addi %add3A_325, %mul3A_324 : i32
      %add3A_327 = arith.constant 0 : i32
      %add3A_328 = arith.addi %add3A_326, %add3A_327 : i32
      %mul3A_329 = arith.constant 16 : i32
      %mul3A_330 = arith.muli %select_n3A_315, %mul3A_329 : i32
      %add3A_331 = arith.addi %add3A_328, %mul3A_330 : i32
      %add3A_332 = arith.constant 8388608 : i32
      %add3A_333 = vector.broadcast %add3A_332 : i32 to vector<16xi32>
      %add3A_334 = arith.addi %get3A_322, %add3A_333 : vector<16xi32>
      %swap3A = arith.index_cast %add3A_331 : i32 to index
      %swap3A_335 = tpu.vector_load %arg7[%swap3A] {strides = array<i32>} : memref<32768xi32, #tpu.memory_space<vmem>>, vector<16xi32>,
      %swap3A_336 = vector.shape_cast %swap3A_335 : vector<16xi32> to vector<16xi32>
      %swap3A_337 = vector.shape_cast %add3A_334 : vector<16xi32> to vector<16xi32>
      tpu.vector_store %arg7[%swap3A], %swap3A_337 {strides = array<i32>} : memref<32768xi32, #tpu.memory_space<vmem>>, vector<16xi32>,
      %mul3A_338 = arith.constant 1024 : i32
      %mul3A_339 = arith.muli %select_n3A, %mul3A_338 : i32
      %add3A_340 = arith.constant 4096 : i32
      %add3A_341 = arith.addi %add3A_340, %mul3A_339 : i32
      %add3A_342 = arith.constant 128 : i32
      %add3A_343 = arith.addi %add3A_341, %add3A_342 : i32
      %mul3A_344 = arith.constant 16 : i32
      %mul3A_345 = arith.muli %select_n3A_315, %mul3A_344 : i32
      %add3A_346 = arith.addi %add3A_343, %mul3A_345 : i32
      %add3A_347 = arith.constant 8388736 : i32
      %add3A_348 = vector.broadcast %add3A_347 : i32 to vector<16xi32>
      %add3A_349 = arith.addi %get3A_322, %add3A_348 : vector<16xi32>
      %swap3A_350 = arith.index_cast %add3A_346 : i32 to index
      %swap3A_351 = tpu.vector_load %arg7[%swap3A_350] {strides = array<i32>} : memref<32768xi32, #tpu.memory_space<vmem>>, vector<16xi32>,
      %swap3A_352 = vector.shape_cast %swap3A_351 : vector<16xi32> to vector<16xi32>
      %swap3A_353 = vector.shape_cast %add3A_349 : vector<16xi32> to vector<16xi32>
      tpu.vector_store %arg7[%swap3A_350], %swap3A_353 {strides = array<i32>} : memref<32768xi32, #tpu.memory_space<vmem>>, vector<16xi32>,
      %mul3A_354 = arith.constant 1024 : i32
      %mul3A_355 = arith.muli %select_n3A, %mul3A_354 : i32
      %add3A_356 = arith.constant 4096 : i32
      %add3A_357 = arith.addi %add3A_356, %mul3A_355 : i32
      %add3A_358 = arith.constant 256 : i32
      %add3A_359 = arith.addi %add3A_357, %add3A_358 : i32
      %mul3A_360 = arith.constant 16 : i32
      %mul3A_361 = arith.muli %select_n3A_315, %mul3A_360 : i32
      %add3A_362 = arith.addi %add3A_359, %mul3A_361 : i32
      %add3A_363 = arith.constant 8388864 : i32
      %add3A_364 = vector.broadcast %add3A_363 : i32 to vector<16xi32>
      %add3A_365 = arith.addi %get3A_322, %add3A_364 : vector<16xi32>
      %swap3A_366 = arith.index_cast %add3A_362 : i32 to index
      %swap3A_367 = tpu.vector_load %arg7[%swap3A_366] {strides = array<i32>} : memref<32768xi32, #tpu.memory_space<vmem>>, vector<16xi32>,
      %swap3A_368 = vector.shape_cast %swap3A_367 : vector<16xi32> to vector<16xi32>
      %swap3A_369 = vector.shape_cast %add3A_365 : vector<16xi32> to vector<16xi32>
      tpu.vector_store %arg7[%swap3A_366], %swap3A_369 {strides = array<i32>} : memref<32768xi32, #tpu.memory_space<vmem>>, vector<16xi32>,
      %mul3A_370 = arith.constant 1024 : i32
      %mul3A_371 = arith.muli %select_n3A, %mul3A_370 : i32
      %add3A_372 = arith.constant 4096 : i32
      %add3A_373 = arith.addi %add3A_372, %mul3A_371 : i32
      %add3A_374 = arith.constant 384 : i32
      %add3A_375 = arith.addi %add3A_373, %add3A_374 : i32
      %mul3A_376 = arith.constant 16 : i32
      %mul3A_377 = arith.muli %select_n3A_315, %mul3A_376 : i32
      %add3A_378 = arith.addi %add3A_375, %mul3A_377 : i32
      %add3A_379 = arith.constant 8388992 : i32
      %add3A_380 = vector.broadcast %add3A_379 : i32 to vector<16xi32>
      %add3A_381 = arith.addi %get3A_322, %add3A_380 : vector<16xi32>
      %swap3A_382 = arith.index_cast %add3A_378 : i32 to index
      %swap3A_383 = tpu.vector_load %arg7[%swap3A_382] {strides = array<i32>} : memref<32768xi32, #tpu.memory_space<vmem>>, vector<16xi32>,
      %swap3A_384 = vector.shape_cast %swap3A_383 : vector<16xi32> to vector<16xi32>
      %swap3A_385 = vector.shape_cast %add3A_381 : vector<16xi32> to vector<16xi32>
      tpu.vector_store %arg7[%swap3A_382], %swap3A_385 {strides = array<i32>} : memref<32768xi32, #tpu.memory_space<vmem>>, vector<16xi32>,
      %mul3A_386 = arith.constant 1024 : i32
      %mul3A_387 = arith.muli %select_n3A, %mul3A_386 : i32
      %add3A_388 = arith.constant 4096 : i32
      %add3A_389 = arith.addi %add3A_388, %mul3A_387 : i32
      %add3A_390 = arith.constant 512 : i32
      %add3A_391 = arith.addi %add3A_389, %add3A_390 : i32
      %mul3A_392 = arith.constant 16 : i32
      %mul3A_393 = arith.muli %select_n3A_315, %mul3A_392 : i32
      %add3A_394 = arith.addi %add3A_391, %mul3A_393 : i32
      %add3A_395 = arith.constant 8389120 : i32
      %add3A_396 = vector.broadcast %add3A_395 : i32 to vector<16xi32>
      %add3A_397 = arith.addi %get3A_322, %add3A_396 : vector<16xi32>
      %swap3A_398 = arith.index_cast %add3A_394 : i32 to index
      %swap3A_399 = tpu.vector_load %arg7[%swap3A_398] {strides = array<i32>} : memref<32768xi32, #tpu.memory_space<vmem>>, vector<16xi32>,
      %swap3A_400 = vector.shape_cast %swap3A_399 : vector<16xi32> to vector<16xi32>
      %swap3A_401 = vector.shape_cast %add3A_397 : vector<16xi32> to vector<16xi32>
      tpu.vector_store %arg7[%swap3A_398], %swap3A_401 {strides = array<i32>} : memref<32768xi32, #tpu.memory_space<vmem>>, vector<16xi32>,
      %mul3A_402 = arith.constant 1024 : i32
      %mul3A_403 = arith.muli %select_n3A, %mul3A_402 : i32
      %add3A_404 = arith.constant 4096 : i32
      %add3A_405 = arith.addi %add3A_404, %mul3A_403 : i32
      %add3A_406 = arith.constant 640 : i32
      %add3A_407 = arith.addi %add3A_405, %add3A_406 : i32
      %mul3A_408 = arith.constant 16 : i32
      %mul3A_409 = arith.muli %select_n3A_315, %mul3A_408 : i32
      %add3A_410 = arith.addi %add3A_407, %mul3A_409 : i32
      %add3A_411 = arith.constant 8389248 : i32
      %add3A_412 = vector.broadcast %add3A_411 : i32 to vector<16xi32>
      %add3A_413 = arith.addi %get3A_322, %add3A_412 : vector<16xi32>
      %swap3A_414 = arith.index_cast %add3A_410 : i32 to index
      %swap3A_415 = tpu.vector_load %arg7[%swap3A_414] {strides = array<i32>} : memref<32768xi32, #tpu.memory_space<vmem>>, vector<16xi32>,
      %swap3A_416 = vector.shape_cast %swap3A_415 : vector<16xi32> to vector<16xi32>
      %swap3A_417 = vector.shape_cast %add3A_413 : vector<16xi32> to vector<16xi32>
      tpu.vector_store %arg7[%swap3A_414], %swap3A_417 {strides = array<i32>} : memref<32768xi32, #tpu.memory_space<vmem>>, vector<16xi32>,
      %mul3A_418 = arith.constant 1024 : i32
      %mul3A_419 = arith.muli %select_n3A, %mul3A_418 : i32
      %add3A_420 = arith.constant 4096 : i32
      %add3A_421 = arith.addi %add3A_420, %mul3A_419 : i32
      %add3A_422 = arith.constant 768 : i32
      %add3A_423 = arith.addi %add3A_421, %add3A_422 : i32
      %mul3A_424 = arith.constant 16 : i32
      %mul3A_425 = arith.muli %select_n3A_315, %mul3A_424 : i32
      %add3A_426 = arith.addi %add3A_423, %mul3A_425 : i32
      %add3A_427 = arith.constant 8389376 : i32
      %add3A_428 = vector.broadcast %add3A_427 : i32 to vector<16xi32>
      %add3A_429 = arith.addi %get3A_322, %add3A_428 : vector<16xi32>
      %swap3A_430 = arith.index_cast %add3A_426 : i32 to index
      %swap3A_431 = tpu.vector_load %arg7[%swap3A_430] {strides = array<i32>} : memref<32768xi32, #tpu.memory_space<vmem>>, vector<16xi32>,
      %swap3A_432 = vector.shape_cast %swap3A_431 : vector<16xi32> to vector<16xi32>
      %swap3A_433 = vector.shape_cast %add3A_429 : vector<16xi32> to vector<16xi32>
      tpu.vector_store %arg7[%swap3A_430], %swap3A_433 {strides = array<i32>} : memref<32768xi32, #tpu.memory_space<vmem>>, vector<16xi32>,
      %mul3A_434 = arith.constant 1024 : i32
      %mul3A_435 = arith.muli %select_n3A, %mul3A_434 : i32
      %add3A_436 = arith.constant 4096 : i32
      %add3A_437 = arith.addi %add3A_436, %mul3A_435 : i32
      %add3A_438 = arith.constant 896 : i32
      %add3A_439 = arith.addi %add3A_437, %add3A_438 : i32
      %mul3A_440 = arith.constant 16 : i32
      %mul3A_441 = arith.muli %select_n3A_315, %mul3A_440 : i32
      %add3A_442 = arith.addi %add3A_439, %mul3A_441 : i32
      %add3A_443 = arith.constant 8389504 : i32
      %add3A_444 = vector.broadcast %add3A_443 : i32 to vector<16xi32>
      %add3A_445 = arith.addi %get3A_322, %add3A_444 : vector<16xi32>
      %swap3A_446 = arith.index_cast %add3A_442 : i32 to index
      %swap3A_447 = tpu.vector_load %arg7[%swap3A_446] {strides = array<i32>} : memref<32768xi32, #tpu.memory_space<vmem>>, vector<16xi32>,
      %swap3A_448 = vector.shape_cast %swap3A_447 : vector<16xi32> to vector<16xi32>
      %swap3A_449 = vector.shape_cast %add3A_445 : vector<16xi32> to vector<16xi32>
      tpu.vector_store %arg7[%swap3A_446], %swap3A_449 {strides = array<i32>} : memref<32768xi32, #tpu.memory_space<vmem>>, vector<16xi32>,
    }
    %scan3A_21 = arith.constant 32 : i32
    %dma_start3A_22 = arith.constant 4096 : i32
    %dma_start3A_23 = tpu.memref_slice %arg8[%dma_start3A_22] : memref<32768xf32, #tpu.memory_space<vmem>> -> memref<4096xf32, #tpu.memory_space<vmem>>
    %dma_start3A_24 = arith.constant 4096 : i32
    %dma_start3A_25 = tpu.memref_slice %arg7[%dma_start3A_24] : memref<32768xi32, #tpu.memory_space<vmem>> -> memref<4096xi32, #tpu.memory_space<vmem>>
    %dma_start3A_26 = arith.constant 0 : i32
    %dma_start3A_27 = tpu.memref_slice %arg3[%dma_start3A_26] : memref<67108864xf32, #tpu.memory_space<hbm>> -> memref<67108864xf32, #tpu.memory_space<hbm>>
    tpu.enqueue_indirect_dma source(%dma_start3A_27 : memref<67108864xf32, #tpu.memory_space<hbm>>) target(%dma_start3A_23 : memref<4096xf32, #tpu.memory_space<vmem>>) offsets(%dma_start3A_25 : memref<4096xi32, #tpu.memory_space<vmem>>) semaphore(%arg11 : memref<!tpu.dma_semaphore, #tpu.memory_space<semaphore_mem>>)
    %dma_wait3A = arith.constant 0 : i32
    %dma_wait3A_28 = tpu.memref_slice %arg8[%dma_wait3A] : memref<32768xf32, #tpu.memory_space<vmem>> -> memref<4096xf32, #tpu.memory_space<vmem>>
    %dma_wait3A_29 = arith.constant 0 : i32
    %dma_wait3A_30 = tpu.memref_slice %arg7[%dma_wait3A_29] : memref<32768xi32, #tpu.memory_space<vmem>> -> memref<4096xi32, #tpu.memory_space<vmem>>
    %dma_wait3A_31 = arith.constant 0 : i32
    %dma_wait3A_32 = tpu.memref_slice %arg3[%dma_wait3A_31] : memref<67108864xf32, #tpu.memory_space<hbm>> -> memref<67108864xf32, #tpu.memory_space<hbm>>
    tpu.wait_indirect_dma semaphore(%arg10 : memref<!tpu.dma_semaphore, #tpu.memory_space<semaphore_mem>>) src(%dma_wait3A_32 : memref<67108864xf32, #tpu.memory_space<hbm>>) dst(%dma_wait3A_28 : memref<4096xf32, #tpu.memory_space<vmem>>)
    %mul3A_33 = arith.constant 4 : i32
    %mul3A_34 = arith.muli %mul3A_33, %add3A : i32
    %add3A_35 = arith.constant 0 : i32
    %add3A_36 = arith.addi %add3A_35, %mul3A_34 : i32
    %mul3A_37 = arith.constant 1024 : i32
    %mul3A_38 = arith.muli %add3A_36, %mul3A_37 : i32
    %dma_start3A_39 = arith.constant 0 : i32
    %dma_start3A_40 = tpu.memref_slice %arg8[%dma_start3A_39] : memref<32768xf32, #tpu.memory_space<vmem>> -> memref<4096xf32, #tpu.memory_space<vmem>>
    %dma_start3A_41 = tpu.memref_slice %arg4[%mul3A_38] : memref<1048576xf32, #tpu.memory_space<hbm>> -> memref<4096xf32, #tpu.memory_space<hbm>>
    %dma_start3A_42 = tpu.memref_slice %arg4[%mul3A_38] : memref<1048576xf32, #tpu.memory_space<hbm>> -> memref<4096xf32, #tpu.memory_space<hbm>>
    %dma_start3A_43 = arith.constant 0 : i32
    %dma_start3A_44 = tpu.memref_slice %arg8[%dma_start3A_43] : memref<32768xf32, #tpu.memory_space<vmem>> -> memref<4096xf32, #tpu.memory_space<vmem>>
    tpu.enqueue_dma source(%dma_start3A_44 : memref<4096xf32, #tpu.memory_space<vmem>>) target(%dma_start3A_42 : memref<4096xf32, #tpu.memory_space<hbm>>) target_semaphore(%arg9 : memref<!tpu.dma_semaphore, #tpu.memory_space<semaphore_mem>>)
    %scan3A_45 = arith.constant 0 : i32
    %scan3A_46 = arith.constant 32 : i32
    %scan3A_47 = arith.addi %scan3A_45, %scan3A_46 : i32
    %scan3A_48 = arith.constant 1 : i32
    scf.for %scan3A_285 = %scan3A_45 to %scan3A_47 step %scan3A_48  : i32 {
      %jit3A = arith.constant 8 : i32
      %div3A = arith.divsi %scan3A_285, %jit3A : i32
      %sign3A = arith.constant 0 : i32
      %sign3A_286 = arith.cmpi sgt, %scan3A_285, %sign3A : i32
      %sign3A_287 = arith.extui %sign3A_286 : i1 to i32
      %sign3A_288 = arith.constant 0 : i32
      %sign3A_289 = arith.cmpi slt, %scan3A_285, %sign3A_288 : i32
      %sign3A_290 = arith.extui %sign3A_289 : i1 to i32
      %sign3A_291 = arith.subi %sign3A_287, %sign3A_290 : i32
      %sign3A_292 = arith.constant 0 : i32
      %sign3A_293 = arith.cmpi sgt, %jit3A, %sign3A_292 : i32
      %sign3A_294 = arith.extui %sign3A_293 : i1 to i32
      %sign3A_295 = arith.constant 0 : i32
      %sign3A_296 = arith.cmpi slt, %jit3A, %sign3A_295 : i32
      %sign3A_297 = arith.extui %sign3A_296 : i1 to i32
      %sign3A_298 = arith.subi %sign3A_294, %sign3A_297 : i32
      %ne3A = arith.cmpi ne, %sign3A_291, %sign3A_298 : i32
      %rem3A = arith.remsi %scan3A_285, %jit3A : i32
      %ne3A_299 = arith.constant 0 : i32
      %ne3A_300 = arith.cmpi ne, %rem3A, %ne3A_299 : i32
      %and3A = arith.andi %ne3A, %ne3A_300 : i1
      %sub3A = arith.constant 1 : i32
      %sub3A_301 = arith.subi %div3A, %sub3A : i32
      %select_n3A = arith.select %and3A, %sub3A_301, %div3A : i32
      %jit3A_302 = arith.constant 8 : i32
      %eq3A = arith.constant 0 : i32
      %eq3A_303 = arith.cmpi eq, %jit3A_302, %eq3A : i32
      %jit3A_304 = arith.constant 1 : i32
      %select_n3A_305 = arith.select %eq3A_303, %jit3A_304, %jit3A_302 : i32
      %rem3A_306 = arith.remsi %scan3A_285, %select_n3A_305 : i32
      %ne3A_307 = arith.constant 0 : i32
      %ne3A_308 = arith.cmpi ne, %rem3A_306, %ne3A_307 : i32
      %lt3A = arith.constant 0 : i32
      %lt3A_309 = arith.cmpi slt, %rem3A_306, %lt3A : i32
      %lt3A_310 = arith.constant 0 : i32
      %lt3A_311 = arith.cmpi slt, %select_n3A_305, %lt3A_310 : i32
      %ne3A_312 = arith.xori %lt3A_309, %lt3A_311 : i1
      %and3A_313 = arith.andi %ne3A_312, %ne3A_308 : i1
      %add3A_314 = arith.addi %rem3A_306, %select_n3A_305 : i32
      %select_n3A_315 = arith.select %and3A_313, %add3A_314, %rem3A_306 : i32
      %mul3A_316 = arith.constant 128 : i32
      %mul3A_317 = arith.muli %select_n3A, %mul3A_316 : i32
      %mul3A_318 = arith.constant 16 : i32
      %mul3A_319 = arith.muli %select_n3A_315, %mul3A_318 : i32
      %add3A_320 = arith.addi %mul3A_317, %mul3A_319 : i32
      %get3A = arith.index_cast %add3A_320 : i32 to index
      %get3A_321 = tpu.vector_load %arg6[%get3A] {strides = array<i32>} : memref<512xi32, #tpu.memory_space<vmem>>, vector<16xi32>,
      %get3A_322 = vector.shape_cast %get3A_321 : vector<16xi32> to vector<16xi32>
      %mul3A_323 = arith.constant 1024 : i32
      %mul3A_324 = arith.muli %select_n3A, %mul3A_323 : i32
      %add3A_325 = arith.constant 8192 : i32
      %add3A_326 = arith.addi %add3A_325, %mul3A_324 : i32
      %add3A_327 = arith.constant 0 : i32
      %add3A_328 = arith.addi %add3A_326, %add3A_327 : i32
      %mul3A_329 = arith.constant 16 : i32
      %mul3A_330 = arith.muli %select_n3A_315, %mul3A_329 : i32
      %add3A_331 = arith.addi %add3A_328, %mul3A_330 : i32
      %add3A_332 = arith.constant 16777216 : i32
      %add3A_333 = vector.broadcast %add3A_332 : i32 to vector<16xi32>
      %add3A_334 = arith.addi %get3A_322, %add3A_333 : vector<16xi32>
      %swap3A = arith.index_cast %add3A_331 : i32 to index
      %swap3A_335 = tpu.vector_load %arg7[%swap3A] {strides = array<i32>} : memref<32768xi32, #tpu.memory_space<vmem>>, vector<16xi32>,
      %swap3A_336 = vector.shape_cast %swap3A_335 : vector<16xi32> to vector<16xi32>
      %swap3A_337 = vector.shape_cast %add3A_334 : vector<16xi32> to vector<16xi32>
      tpu.vector_store %arg7[%swap3A], %swap3A_337 {strides = array<i32>} : memref<32768xi32, #tpu.memory_space<vmem>>, vector<16xi32>,
      %mul3A_338 = arith.constant 1024 : i32
      %mul3A_339 = arith.muli %select_n3A, %mul3A_338 : i32
      %add3A_340 = arith.constant 8192 : i32
      %add3A_341 = arith.addi %add3A_340, %mul3A_339 : i32
      %add3A_342 = arith.constant 128 : i32
      %add3A_343 = arith.addi %add3A_341, %add3A_342 : i32
      %mul3A_344 = arith.constant 16 : i32
      %mul3A_345 = arith.muli %select_n3A_315, %mul3A_344 : i32
      %add3A_346 = arith.addi %add3A_343, %mul3A_345 : i32
      %add3A_347 = arith.constant 16777344 : i32
      %add3A_348 = vector.broadcast %add3A_347 : i32 to vector<16xi32>
      %add3A_349 = arith.addi %get3A_322, %add3A_348 : vector<16xi32>
      %swap3A_350 = arith.index_cast %add3A_346 : i32 to index
      %swap3A_351 = tpu.vector_load %arg7[%swap3A_350] {strides = array<i32>} : memref<32768xi32, #tpu.memory_space<vmem>>, vector<16xi32>,
      %swap3A_352 = vector.shape_cast %swap3A_351 : vector<16xi32> to vector<16xi32>
      %swap3A_353 = vector.shape_cast %add3A_349 : vector<16xi32> to vector<16xi32>
      tpu.vector_store %arg7[%swap3A_350], %swap3A_353 {strides = array<i32>} : memref<32768xi32, #tpu.memory_space<vmem>>, vector<16xi32>,
      %mul3A_354 = arith.constant 1024 : i32
      %mul3A_355 = arith.muli %select_n3A, %mul3A_354 : i32
      %add3A_356 = arith.constant 8192 : i32
      %add3A_357 = arith.addi %add3A_356, %mul3A_355 : i32
      %add3A_358 = arith.constant 256 : i32
      %add3A_359 = arith.addi %add3A_357, %add3A_358 : i32
      %mul3A_360 = arith.constant 16 : i32
      %mul3A_361 = arith.muli %select_n3A_315, %mul3A_360 : i32
      %add3A_362 = arith.addi %add3A_359, %mul3A_361 : i32
      %add3A_363 = arith.constant 16777472 : i32
      %add3A_364 = vector.broadcast %add3A_363 : i32 to vector<16xi32>
      %add3A_365 = arith.addi %get3A_322, %add3A_364 : vector<16xi32>
      %swap3A_366 = arith.index_cast %add3A_362 : i32 to index
      %swap3A_367 = tpu.vector_load %arg7[%swap3A_366] {strides = array<i32>} : memref<32768xi32, #tpu.memory_space<vmem>>, vector<16xi32>,
      %swap3A_368 = vector.shape_cast %swap3A_367 : vector<16xi32> to vector<16xi32>
      %swap3A_369 = vector.shape_cast %add3A_365 : vector<16xi32> to vector<16xi32>
      tpu.vector_store %arg7[%swap3A_366], %swap3A_369 {strides = array<i32>} : memref<32768xi32, #tpu.memory_space<vmem>>, vector<16xi32>,
      %mul3A_370 = arith.constant 1024 : i32
      %mul3A_371 = arith.muli %select_n3A, %mul3A_370 : i32
      %add3A_372 = arith.constant 8192 : i32
      %add3A_373 = arith.addi %add3A_372, %mul3A_371 : i32
      %add3A_374 = arith.constant 384 : i32
      %add3A_375 = arith.addi %add3A_373, %add3A_374 : i32
      %mul3A_376 = arith.constant 16 : i32
      %mul3A_377 = arith.muli %select_n3A_315, %mul3A_376 : i32
      %add3A_378 = arith.addi %add3A_375, %mul3A_377 : i32
      %add3A_379 = arith.constant 16777600 : i32
      %add3A_380 = vector.broadcast %add3A_379 : i32 to vector<16xi32>
      %add3A_381 = arith.addi %get3A_322, %add3A_380 : vector<16xi32>
      %swap3A_382 = arith.index_cast %add3A_378 : i32 to index
      %swap3A_383 = tpu.vector_load %arg7[%swap3A_382] {strides = array<i32>} : memref<32768xi32, #tpu.memory_space<vmem>>, vector<16xi32>,
      %swap3A_384 = vector.shape_cast %swap3A_383 : vector<16xi32> to vector<16xi32>
      %swap3A_385 = vector.shape_cast %add3A_381 : vector<16xi32> to vector<16xi32>
      tpu.vector_store %arg7[%swap3A_382], %swap3A_385 {strides = array<i32>} : memref<32768xi32, #tpu.memory_space<vmem>>, vector<16xi32>,
      %mul3A_386 = arith.constant 1024 : i32
      %mul3A_387 = arith.muli %select_n3A, %mul3A_386 : i32
      %add3A_388 = arith.constant 8192 : i32
      %add3A_389 = arith.addi %add3A_388, %mul3A_387 : i32
      %add3A_390 = arith.constant 512 : i32
      %add3A_391 = arith.addi %add3A_389, %add3A_390 : i32
      %mul3A_392 = arith.constant 16 : i32
      %mul3A_393 = arith.muli %select_n3A_315, %mul3A_392 : i32
      %add3A_394 = arith.addi %add3A_391, %mul3A_393 : i32
      %add3A_395 = arith.constant 16777728 : i32
      %add3A_396 = vector.broadcast %add3A_395 : i32 to vector<16xi32>
      %add3A_397 = arith.addi %get3A_322, %add3A_396 : vector<16xi32>
      %swap3A_398 = arith.index_cast %add3A_394 : i32 to index
      %swap3A_399 = tpu.vector_load %arg7[%swap3A_398] {strides = array<i32>} : memref<32768xi32, #tpu.memory_space<vmem>>, vector<16xi32>,
      %swap3A_400 = vector.shape_cast %swap3A_399 : vector<16xi32> to vector<16xi32>
      %swap3A_401 = vector.shape_cast %add3A_397 : vector<16xi32> to vector<16xi32>
      tpu.vector_store %arg7[%swap3A_398], %swap3A_401 {strides = array<i32>} : memref<32768xi32, #tpu.memory_space<vmem>>, vector<16xi32>,
      %mul3A_402 = arith.constant 1024 : i32
      %mul3A_403 = arith.muli %select_n3A, %mul3A_402 : i32
      %add3A_404 = arith.constant 8192 : i32
      %add3A_405 = arith.addi %add3A_404, %mul3A_403 : i32
      %add3A_406 = arith.constant 640 : i32
      %add3A_407 = arith.addi %add3A_405, %add3A_406 : i32
      %mul3A_408 = arith.constant 16 : i32
      %mul3A_409 = arith.muli %select_n3A_315, %mul3A_408 : i32
      %add3A_410 = arith.addi %add3A_407, %mul3A_409 : i32
      %add3A_411 = arith.constant 16777856 : i32
      %add3A_412 = vector.broadcast %add3A_411 : i32 to vector<16xi32>
      %add3A_413 = arith.addi %get3A_322, %add3A_412 : vector<16xi32>
      %swap3A_414 = arith.index_cast %add3A_410 : i32 to index
      %swap3A_415 = tpu.vector_load %arg7[%swap3A_414] {strides = array<i32>} : memref<32768xi32, #tpu.memory_space<vmem>>, vector<16xi32>,
      %swap3A_416 = vector.shape_cast %swap3A_415 : vector<16xi32> to vector<16xi32>
      %swap3A_417 = vector.shape_cast %add3A_413 : vector<16xi32> to vector<16xi32>
      tpu.vector_store %arg7[%swap3A_414], %swap3A_417 {strides = array<i32>} : memref<32768xi32, #tpu.memory_space<vmem>>, vector<16xi32>,
      %mul3A_418 = arith.constant 1024 : i32
      %mul3A_419 = arith.muli %select_n3A, %mul3A_418 : i32
      %add3A_420 = arith.constant 8192 : i32
      %add3A_421 = arith.addi %add3A_420, %mul3A_419 : i32
      %add3A_422 = arith.constant 768 : i32
      %add3A_423 = arith.addi %add3A_421, %add3A_422 : i32
      %mul3A_424 = arith.constant 16 : i32
      %mul3A_425 = arith.muli %select_n3A_315, %mul3A_424 : i32
      %add3A_426 = arith.addi %add3A_423, %mul3A_425 : i32
      %add3A_427 = arith.constant 16777984 : i32
      %add3A_428 = vector.broadcast %add3A_427 : i32 to vector<16xi32>
      %add3A_429 = arith.addi %get3A_322, %add3A_428 : vector<16xi32>
      %swap3A_430 = arith.index_cast %add3A_426 : i32 to index
      %swap3A_431 = tpu.vector_load %arg7[%swap3A_430] {strides = array<i32>} : memref<32768xi32, #tpu.memory_space<vmem>>, vector<16xi32>,
      %swap3A_432 = vector.shape_cast %swap3A_431 : vector<16xi32> to vector<16xi32>
      %swap3A_433 = vector.shape_cast %add3A_429 : vector<16xi32> to vector<16xi32>
      tpu.vector_store %arg7[%swap3A_430], %swap3A_433 {strides = array<i32>} : memref<32768xi32, #tpu.memory_space<vmem>>, vector<16xi32>,
      %mul3A_434 = arith.constant 1024 : i32
      %mul3A_435 = arith.muli %select_n3A, %mul3A_434 : i32
      %add3A_436 = arith.constant 8192 : i32
      %add3A_437 = arith.addi %add3A_436, %mul3A_435 : i32
      %add3A_438 = arith.constant 896 : i32
      %add3A_439 = arith.addi %add3A_437, %add3A_438 : i32
      %mul3A_440 = arith.constant 16 : i32
      %mul3A_441 = arith.muli %select_n3A_315, %mul3A_440 : i32
      %add3A_442 = arith.addi %add3A_439, %mul3A_441 : i32
      %add3A_443 = arith.constant 16778112 : i32
      %add3A_444 = vector.broadcast %add3A_443 : i32 to vector<16xi32>
      %add3A_445 = arith.addi %get3A_322, %add3A_444 : vector<16xi32>
      %swap3A_446 = arith.index_cast %add3A_442 : i32 to index
      %swap3A_447 = tpu.vector_load %arg7[%swap3A_446] {strides = array<i32>} : memref<32768xi32, #tpu.memory_space<vmem>>, vector<16xi32>,
      %swap3A_448 = vector.shape_cast %swap3A_447 : vector<16xi32> to vector<16xi32>
      %swap3A_449 = vector.shape_cast %add3A_445 : vector<16xi32> to vector<16xi32>
      tpu.vector_store %arg7[%swap3A_446], %swap3A_449 {strides = array<i32>} : memref<32768xi32, #tpu.memory_space<vmem>>, vector<16xi32>,
    }
    %scan3A_49 = arith.constant 32 : i32
    %dma_start3A_50 = arith.constant 8192 : i32
    %dma_start3A_51 = tpu.memref_slice %arg8[%dma_start3A_50] : memref<32768xf32, #tpu.memory_space<vmem>> -> memref<4096xf32, #tpu.memory_space<vmem>>
    %dma_start3A_52 = arith.constant 8192 : i32
    %dma_start3A_53 = tpu.memref_slice %arg7[%dma_start3A_52] : memref<32768xi32, #tpu.memory_space<vmem>> -> memref<4096xi32, #tpu.memory_space<vmem>>
    %dma_start3A_54 = arith.constant 0 : i32
    %dma_start3A_55 = tpu.memref_slice %arg3[%dma_start3A_54] : memref<67108864xf32, #tpu.memory_space<hbm>> -> memref<67108864xf32, #tpu.memory_space<hbm>>
    tpu.enqueue_indirect_dma source(%dma_start3A_55 : memref<67108864xf32, #tpu.memory_space<hbm>>) target(%dma_start3A_51 : memref<4096xf32, #tpu.memory_space<vmem>>) offsets(%dma_start3A_53 : memref<4096xi32, #tpu.memory_space<vmem>>) semaphore(%arg12 : memref<!tpu.dma_semaphore, #tpu.memory_space<semaphore_mem>>)
    %dma_wait3A_56 = arith.constant 4096 : i32
    %dma_wait3A_57 = tpu.memref_slice %arg8[%dma_wait3A_56] : memref<32768xf32, #tpu.memory_space<vmem>> -> memref<4096xf32, #tpu.memory_space<vmem>>
    %dma_wait3A_58 = arith.constant 4096 : i32
    %dma_wait3A_59 = tpu.memref_slice %arg7[%dma_wait3A_58] : memref<32768xi32, #tpu.memory_space<vmem>> -> memref<4096xi32, #tpu.memory_space<vmem>>
    %dma_wait3A_60 = arith.constant 0 : i32
    %dma_wait3A_61 = tpu.memref_slice %arg3[%dma_wait3A_60] : memref<67108864xf32, #tpu.memory_space<hbm>> -> memref<67108864xf32, #tpu.memory_space<hbm>>
    tpu.wait_indirect_dma semaphore(%arg11 : memref<!tpu.dma_semaphore, #tpu.memory_space<semaphore_mem>>) src(%dma_wait3A_61 : memref<67108864xf32, #tpu.memory_space<hbm>>) dst(%dma_wait3A_57 : memref<4096xf32, #tpu.memory_space<vmem>>)
    %mul3A_62 = arith.constant 4 : i32
    %mul3A_63 = arith.muli %mul3A_62, %add3A : i32
    %add3A_64 = arith.constant 128 : i32
    %add3A_65 = arith.addi %add3A_64, %mul3A_63 : i32
    %mul3A_66 = arith.constant 1024 : i32
    %mul3A_67 = arith.muli %add3A_65, %mul3A_66 : i32
    %dma_start3A_68 = arith.constant 4096 : i32
    %dma_start3A_69 = tpu.memref_slice %arg8[%dma_start3A_68] : memref<32768xf32, #tpu.memory_space<vmem>> -> memref<4096xf32, #tpu.memory_space<vmem>>
    %dma_start3A_70 = tpu.memref_slice %arg4[%mul3A_67] : memref<1048576xf32, #tpu.memory_space<hbm>> -> memref<4096xf32, #tpu.memory_space<hbm>>
    %dma_start3A_71 = tpu.memref_slice %arg4[%mul3A_67] : memref<1048576xf32, #tpu.memory_space<hbm>> -> memref<4096xf32, #tpu.memory_space<hbm>>
    %dma_start3A_72 = arith.constant 4096 : i32
    %dma_start3A_73 = tpu.memref_slice %arg8[%dma_start3A_72] : memref<32768xf32, #tpu.memory_space<vmem>> -> memref<4096xf32, #tpu.memory_space<vmem>>
    tpu.enqueue_dma source(%dma_start3A_73 : memref<4096xf32, #tpu.memory_space<vmem>>) target(%dma_start3A_71 : memref<4096xf32, #tpu.memory_space<hbm>>) target_semaphore(%arg9 : memref<!tpu.dma_semaphore, #tpu.memory_space<semaphore_mem>>)
    %scan3A_74 = arith.constant 0 : i32
    %scan3A_75 = arith.constant 32 : i32
    %scan3A_76 = arith.addi %scan3A_74, %scan3A_75 : i32
    %scan3A_77 = arith.constant 1 : i32
    scf.for %scan3A_285 = %scan3A_74 to %scan3A_76 step %scan3A_77  : i32 {
      %jit3A = arith.constant 8 : i32
      %div3A = arith.divsi %scan3A_285, %jit3A : i32
      %sign3A = arith.constant 0 : i32
      %sign3A_286 = arith.cmpi sgt, %scan3A_285, %sign3A : i32
      %sign3A_287 = arith.extui %sign3A_286 : i1 to i32
      %sign3A_288 = arith.constant 0 : i32
      %sign3A_289 = arith.cmpi slt, %scan3A_285, %sign3A_288 : i32
      %sign3A_290 = arith.extui %sign3A_289 : i1 to i32
      %sign3A_291 = arith.subi %sign3A_287, %sign3A_290 : i32
      %sign3A_292 = arith.constant 0 : i32
      %sign3A_293 = arith.cmpi sgt, %jit3A, %sign3A_292 : i32
      %sign3A_294 = arith.extui %sign3A_293 : i1 to i32
      %sign3A_295 = arith.constant 0 : i32
      %sign3A_296 = arith.cmpi slt, %jit3A, %sign3A_295 : i32
      %sign3A_297 = arith.extui %sign3A_296 : i1 to i32
      %sign3A_298 = arith.subi %sign3A_294, %sign3A_297 : i32
      %ne3A = arith.cmpi ne, %sign3A_291, %sign3A_298 : i32
      %rem3A = arith.remsi %scan3A_285, %jit3A : i32
      %ne3A_299 = arith.constant 0 : i32
      %ne3A_300 = arith.cmpi ne, %rem3A, %ne3A_299 : i32
      %and3A = arith.andi %ne3A, %ne3A_300 : i1
      %sub3A = arith.constant 1 : i32
      %sub3A_301 = arith.subi %div3A, %sub3A : i32
      %select_n3A = arith.select %and3A, %sub3A_301, %div3A : i32
      %jit3A_302 = arith.constant 8 : i32
      %eq3A = arith.constant 0 : i32
      %eq3A_303 = arith.cmpi eq, %jit3A_302, %eq3A : i32
      %jit3A_304 = arith.constant 1 : i32
      %select_n3A_305 = arith.select %eq3A_303, %jit3A_304, %jit3A_302 : i32
      %rem3A_306 = arith.remsi %scan3A_285, %select_n3A_305 : i32
      %ne3A_307 = arith.constant 0 : i32
      %ne3A_308 = arith.cmpi ne, %rem3A_306, %ne3A_307 : i32
      %lt3A = arith.constant 0 : i32
      %lt3A_309 = arith.cmpi slt, %rem3A_306, %lt3A : i32
      %lt3A_310 = arith.constant 0 : i32
      %lt3A_311 = arith.cmpi slt, %select_n3A_305, %lt3A_310 : i32
      %ne3A_312 = arith.xori %lt3A_309, %lt3A_311 : i1
      %and3A_313 = arith.andi %ne3A_312, %ne3A_308 : i1
      %add3A_314 = arith.addi %rem3A_306, %select_n3A_305 : i32
      %select_n3A_315 = arith.select %and3A_313, %add3A_314, %rem3A_306 : i32
      %mul3A_316 = arith.constant 128 : i32
      %mul3A_317 = arith.muli %select_n3A, %mul3A_316 : i32
      %mul3A_318 = arith.constant 16 : i32
      %mul3A_319 = arith.muli %select_n3A_315, %mul3A_318 : i32
      %add3A_320 = arith.addi %mul3A_317, %mul3A_319 : i32
      %get3A = arith.index_cast %add3A_320 : i32 to index
      %get3A_321 = tpu.vector_load %arg6[%get3A] {strides = array<i32>} : memref<512xi32, #tpu.memory_space<vmem>>, vector<16xi32>,
      %get3A_322 = vector.shape_cast %get3A_321 : vector<16xi32> to vector<16xi32>
      %mul3A_323 = arith.constant 1024 : i32
      %mul3A_324 = arith.muli %select_n3A, %mul3A_323 : i32
      %add3A_325 = arith.constant 12288 : i32
      %add3A_326 = arith.addi %add3A_325, %mul3A_324 : i32
      %add3A_327 = arith.constant 0 : i32
      %add3A_328 = arith.addi %add3A_326, %add3A_327 : i32
      %mul3A_329 = arith.constant 16 : i32
      %mul3A_330 = arith.muli %select_n3A_315, %mul3A_329 : i32
      %add3A_331 = arith.addi %add3A_328, %mul3A_330 : i32
      %add3A_332 = arith.constant 25165824 : i32
      %add3A_333 = vector.broadcast %add3A_332 : i32 to vector<16xi32>
      %add3A_334 = arith.addi %get3A_322, %add3A_333 : vector<16xi32>
      %swap3A = arith.index_cast %add3A_331 : i32 to index
      %swap3A_335 = tpu.vector_load %arg7[%swap3A] {strides = array<i32>} : memref<32768xi32, #tpu.memory_space<vmem>>, vector<16xi32>,
      %swap3A_336 = vector.shape_cast %swap3A_335 : vector<16xi32> to vector<16xi32>
      %swap3A_337 = vector.shape_cast %add3A_334 : vector<16xi32> to vector<16xi32>
      tpu.vector_store %arg7[%swap3A], %swap3A_337 {strides = array<i32>} : memref<32768xi32, #tpu.memory_space<vmem>>, vector<16xi32>,
      %mul3A_338 = arith.constant 1024 : i32
      %mul3A_339 = arith.muli %select_n3A, %mul3A_338 : i32
      %add3A_340 = arith.constant 12288 : i32
      %add3A_341 = arith.addi %add3A_340, %mul3A_339 : i32
      %add3A_342 = arith.constant 128 : i32
      %add3A_343 = arith.addi %add3A_341, %add3A_342 : i32
      %mul3A_344 = arith.constant 16 : i32
      %mul3A_345 = arith.muli %select_n3A_315, %mul3A_344 : i32
      %add3A_346 = arith.addi %add3A_343, %mul3A_345 : i32
      %add3A_347 = arith.constant 25165952 : i32
      %add3A_348 = vector.broadcast %add3A_347 : i32 to vector<16xi32>
      %add3A_349 = arith.addi %get3A_322, %add3A_348 : vector<16xi32>
      %swap3A_350 = arith.index_cast %add3A_346 : i32 to index
      %swap3A_351 = tpu.vector_load %arg7[%swap3A_350] {strides = array<i32>} : memref<32768xi32, #tpu.memory_space<vmem>>, vector<16xi32>,
      %swap3A_352 = vector.shape_cast %swap3A_351 : vector<16xi32> to vector<16xi32>
      %swap3A_353 = vector.shape_cast %add3A_349 : vector<16xi32> to vector<16xi32>
      tpu.vector_store %arg7[%swap3A_350], %swap3A_353 {strides = array<i32>} : memref<32768xi32, #tpu.memory_space<vmem>>, vector<16xi32>,
      %mul3A_354 = arith.constant 1024 : i32
      %mul3A_355 = arith.muli %select_n3A, %mul3A_354 : i32
      %add3A_356 = arith.constant 12288 : i32
      %add3A_357 = arith.addi %add3A_356, %mul3A_355 : i32
      %add3A_358 = arith.constant 256 : i32
      %add3A_359 = arith.addi %add3A_357, %add3A_358 : i32
      %mul3A_360 = arith.constant 16 : i32
      %mul3A_361 = arith.muli %select_n3A_315, %mul3A_360 : i32
      %add3A_362 = arith.addi %add3A_359, %mul3A_361 : i32
      %add3A_363 = arith.constant 25166080 : i32
      %add3A_364 = vector.broadcast %add3A_363 : i32 to vector<16xi32>
      %add3A_365 = arith.addi %get3A_322, %add3A_364 : vector<16xi32>
      %swap3A_366 = arith.index_cast %add3A_362 : i32 to index
      %swap3A_367 = tpu.vector_load %arg7[%swap3A_366] {strides = array<i32>} : memref<32768xi32, #tpu.memory_space<vmem>>, vector<16xi32>,
      %swap3A_368 = vector.shape_cast %swap3A_367 : vector<16xi32> to vector<16xi32>
      %swap3A_369 = vector.shape_cast %add3A_365 : vector<16xi32> to vector<16xi32>
      tpu.vector_store %arg7[%swap3A_366], %swap3A_369 {strides = array<i32>} : memref<32768xi32, #tpu.memory_space<vmem>>, vector<16xi32>,
      %mul3A_370 = arith.constant 1024 : i32
      %mul3A_371 = arith.muli %select_n3A, %mul3A_370 : i32
      %add3A_372 = arith.constant 12288 : i32
      %add3A_373 = arith.addi %add3A_372, %mul3A_371 : i32
      %add3A_374 = arith.constant 384 : i32
      %add3A_375 = arith.addi %add3A_373, %add3A_374 : i32
      %mul3A_376 = arith.constant 16 : i32
      %mul3A_377 = arith.muli %select_n3A_315, %mul3A_376 : i32
      %add3A_378 = arith.addi %add3A_375, %mul3A_377 : i32
      %add3A_379 = arith.constant 25166208 : i32
      %add3A_380 = vector.broadcast %add3A_379 : i32 to vector<16xi32>
      %add3A_381 = arith.addi %get3A_322, %add3A_380 : vector<16xi32>
      %swap3A_382 = arith.index_cast %add3A_378 : i32 to index
      %swap3A_383 = tpu.vector_load %arg7[%swap3A_382] {strides = array<i32>} : memref<32768xi32, #tpu.memory_space<vmem>>, vector<16xi32>,
      %swap3A_384 = vector.shape_cast %swap3A_383 : vector<16xi32> to vector<16xi32>
      %swap3A_385 = vector.shape_cast %add3A_381 : vector<16xi32> to vector<16xi32>
      tpu.vector_store %arg7[%swap3A_382], %swap3A_385 {strides = array<i32>} : memref<32768xi32, #tpu.memory_space<vmem>>, vector<16xi32>,
      %mul3A_386 = arith.constant 1024 : i32
      %mul3A_387 = arith.muli %select_n3A, %mul3A_386 : i32
      %add3A_388 = arith.constant 12288 : i32
      %add3A_389 = arith.addi %add3A_388, %mul3A_387 : i32
      %add3A_390 = arith.constant 512 : i32
      %add3A_391 = arith.addi %add3A_389, %add3A_390 : i32
      %mul3A_392 = arith.constant 16 : i32
      %mul3A_393 = arith.muli %select_n3A_315, %mul3A_392 : i32
      %add3A_394 = arith.addi %add3A_391, %mul3A_393 : i32
      %add3A_395 = arith.constant 25166336 : i32
      %add3A_396 = vector.broadcast %add3A_395 : i32 to vector<16xi32>
      %add3A_397 = arith.addi %get3A_322, %add3A_396 : vector<16xi32>
      %swap3A_398 = arith.index_cast %add3A_394 : i32 to index
      %swap3A_399 = tpu.vector_load %arg7[%swap3A_398] {strides = array<i32>} : memref<32768xi32, #tpu.memory_space<vmem>>, vector<16xi32>,
      %swap3A_400 = vector.shape_cast %swap3A_399 : vector<16xi32> to vector<16xi32>
      %swap3A_401 = vector.shape_cast %add3A_397 : vector<16xi32> to vector<16xi32>
      tpu.vector_store %arg7[%swap3A_398], %swap3A_401 {strides = array<i32>} : memref<32768xi32, #tpu.memory_space<vmem>>, vector<16xi32>,
      %mul3A_402 = arith.constant 1024 : i32
      %mul3A_403 = arith.muli %select_n3A, %mul3A_402 : i32
      %add3A_404 = arith.constant 12288 : i32
      %add3A_405 = arith.addi %add3A_404, %mul3A_403 : i32
      %add3A_406 = arith.constant 640 : i32
      %add3A_407 = arith.addi %add3A_405, %add3A_406 : i32
      %mul3A_408 = arith.constant 16 : i32
      %mul3A_409 = arith.muli %select_n3A_315, %mul3A_408 : i32
      %add3A_410 = arith.addi %add3A_407, %mul3A_409 : i32
      %add3A_411 = arith.constant 25166464 : i32
      %add3A_412 = vector.broadcast %add3A_411 : i32 to vector<16xi32>
      %add3A_413 = arith.addi %get3A_322, %add3A_412 : vector<16xi32>
      %swap3A_414 = arith.index_cast %add3A_410 : i32 to index
      %swap3A_415 = tpu.vector_load %arg7[%swap3A_414] {strides = array<i32>} : memref<32768xi32, #tpu.memory_space<vmem>>, vector<16xi32>,
      %swap3A_416 = vector.shape_cast %swap3A_415 : vector<16xi32> to vector<16xi32>
      %swap3A_417 = vector.shape_cast %add3A_413 : vector<16xi32> to vector<16xi32>
      tpu.vector_store %arg7[%swap3A_414], %swap3A_417 {strides = array<i32>} : memref<32768xi32, #tpu.memory_space<vmem>>, vector<16xi32>,
      %mul3A_418 = arith.constant 1024 : i32
      %mul3A_419 = arith.muli %select_n3A, %mul3A_418 : i32
      %add3A_420 = arith.constant 12288 : i32
      %add3A_421 = arith.addi %add3A_420, %mul3A_419 : i32
      %add3A_422 = arith.constant 768 : i32
      %add3A_423 = arith.addi %add3A_421, %add3A_422 : i32
      %mul3A_424 = arith.constant 16 : i32
      %mul3A_425 = arith.muli %select_n3A_315, %mul3A_424 : i32
      %add3A_426 = arith.addi %add3A_423, %mul3A_425 : i32
      %add3A_427 = arith.constant 25166592 : i32
      %add3A_428 = vector.broadcast %add3A_427 : i32 to vector<16xi32>
      %add3A_429 = arith.addi %get3A_322, %add3A_428 : vector<16xi32>
      %swap3A_430 = arith.index_cast %add3A_426 : i32 to index
      %swap3A_431 = tpu.vector_load %arg7[%swap3A_430] {strides = array<i32>} : memref<32768xi32, #tpu.memory_space<vmem>>, vector<16xi32>,
      %swap3A_432 = vector.shape_cast %swap3A_431 : vector<16xi32> to vector<16xi32>
      %swap3A_433 = vector.shape_cast %add3A_429 : vector<16xi32> to vector<16xi32>
      tpu.vector_store %arg7[%swap3A_430], %swap3A_433 {strides = array<i32>} : memref<32768xi32, #tpu.memory_space<vmem>>, vector<16xi32>,
      %mul3A_434 = arith.constant 1024 : i32
      %mul3A_435 = arith.muli %select_n3A, %mul3A_434 : i32
      %add3A_436 = arith.constant 12288 : i32
      %add3A_437 = arith.addi %add3A_436, %mul3A_435 : i32
      %add3A_438 = arith.constant 896 : i32
      %add3A_439 = arith.addi %add3A_437, %add3A_438 : i32
      %mul3A_440 = arith.constant 16 : i32
      %mul3A_441 = arith.muli %select_n3A_315, %mul3A_440 : i32
      %add3A_442 = arith.addi %add3A_439, %mul3A_441 : i32
      %add3A_443 = arith.constant 25166720 : i32
      %add3A_444 = vector.broadcast %add3A_443 : i32 to vector<16xi32>
      %add3A_445 = arith.addi %get3A_322, %add3A_444 : vector<16xi32>
      %swap3A_446 = arith.index_cast %add3A_442 : i32 to index
      %swap3A_447 = tpu.vector_load %arg7[%swap3A_446] {strides = array<i32>} : memref<32768xi32, #tpu.memory_space<vmem>>, vector<16xi32>,
      %swap3A_448 = vector.shape_cast %swap3A_447 : vector<16xi32> to vector<16xi32>
      %swap3A_449 = vector.shape_cast %add3A_445 : vector<16xi32> to vector<16xi32>
      tpu.vector_store %arg7[%swap3A_446], %swap3A_449 {strides = array<i32>} : memref<32768xi32, #tpu.memory_space<vmem>>, vector<16xi32>,
    }
    %scan3A_78 = arith.constant 32 : i32
    %dma_start3A_79 = arith.constant 12288 : i32
    %dma_start3A_80 = tpu.memref_slice %arg8[%dma_start3A_79] : memref<32768xf32, #tpu.memory_space<vmem>> -> memref<4096xf32, #tpu.memory_space<vmem>>
    %dma_start3A_81 = arith.constant 12288 : i32
    %dma_start3A_82 = tpu.memref_slice %arg7[%dma_start3A_81] : memref<32768xi32, #tpu.memory_space<vmem>> -> memref<4096xi32, #tpu.memory_space<vmem>>
    %dma_start3A_83 = arith.constant 0 : i32
    %dma_start3A_84 = tpu.memref_slice %arg3[%dma_start3A_83] : memref<67108864xf32, #tpu.memory_space<hbm>> -> memref<67108864xf32, #tpu.memory_space<hbm>>
    tpu.enqueue_indirect_dma source(%dma_start3A_84 : memref<67108864xf32, #tpu.memory_space<hbm>>) target(%dma_start3A_80 : memref<4096xf32, #tpu.memory_space<vmem>>) offsets(%dma_start3A_82 : memref<4096xi32, #tpu.memory_space<vmem>>) semaphore(%arg13 : memref<!tpu.dma_semaphore, #tpu.memory_space<semaphore_mem>>)
    %dma_wait3A_85 = arith.constant 8192 : i32
    %dma_wait3A_86 = tpu.memref_slice %arg8[%dma_wait3A_85] : memref<32768xf32, #tpu.memory_space<vmem>> -> memref<4096xf32, #tpu.memory_space<vmem>>
    %dma_wait3A_87 = arith.constant 8192 : i32
    %dma_wait3A_88 = tpu.memref_slice %arg7[%dma_wait3A_87] : memref<32768xi32, #tpu.memory_space<vmem>> -> memref<4096xi32, #tpu.memory_space<vmem>>
    %dma_wait3A_89 = arith.constant 0 : i32
    %dma_wait3A_90 = tpu.memref_slice %arg3[%dma_wait3A_89] : memref<67108864xf32, #tpu.memory_space<hbm>> -> memref<67108864xf32, #tpu.memory_space<hbm>>
    tpu.wait_indirect_dma semaphore(%arg12 : memref<!tpu.dma_semaphore, #tpu.memory_space<semaphore_mem>>) src(%dma_wait3A_90 : memref<67108864xf32, #tpu.memory_space<hbm>>) dst(%dma_wait3A_86 : memref<4096xf32, #tpu.memory_space<vmem>>)
    %mul3A_91 = arith.constant 4 : i32
    %mul3A_92 = arith.muli %mul3A_91, %add3A : i32
    %add3A_93 = arith.constant 256 : i32
    %add3A_94 = arith.addi %add3A_93, %mul3A_92 : i32
    %mul3A_95 = arith.constant 1024 : i32
    %mul3A_96 = arith.muli %add3A_94, %mul3A_95 : i32
    %dma_start3A_97 = arith.constant 8192 : i32
    %dma_start3A_98 = tpu.memref_slice %arg8[%dma_start3A_97] : memref<32768xf32, #tpu.memory_space<vmem>> -> memref<4096xf32, #tpu.memory_space<vmem>>
    %dma_start3A_99 = tpu.memref_slice %arg4[%mul3A_96] : memref<1048576xf32, #tpu.memory_space<hbm>> -> memref<4096xf32, #tpu.memory_space<hbm>>
    %dma_start3A_100 = tpu.memref_slice %arg4[%mul3A_96] : memref<1048576xf32, #tpu.memory_space<hbm>> -> memref<4096xf32, #tpu.memory_space<hbm>>
    %dma_start3A_101 = arith.constant 8192 : i32
    %dma_start3A_102 = tpu.memref_slice %arg8[%dma_start3A_101] : memref<32768xf32, #tpu.memory_space<vmem>> -> memref<4096xf32, #tpu.memory_space<vmem>>
    tpu.enqueue_dma source(%dma_start3A_102 : memref<4096xf32, #tpu.memory_space<vmem>>) target(%dma_start3A_100 : memref<4096xf32, #tpu.memory_space<hbm>>) target_semaphore(%arg9 : memref<!tpu.dma_semaphore, #tpu.memory_space<semaphore_mem>>)
    %scan3A_103 = arith.constant 0 : i32
    %scan3A_104 = arith.constant 32 : i32
    %scan3A_105 = arith.addi %scan3A_103, %scan3A_104 : i32
    %scan3A_106 = arith.constant 1 : i32
    scf.for %scan3A_285 = %scan3A_103 to %scan3A_105 step %scan3A_106  : i32 {
      %jit3A = arith.constant 8 : i32
      %div3A = arith.divsi %scan3A_285, %jit3A : i32
      %sign3A = arith.constant 0 : i32
      %sign3A_286 = arith.cmpi sgt, %scan3A_285, %sign3A : i32
      %sign3A_287 = arith.extui %sign3A_286 : i1 to i32
      %sign3A_288 = arith.constant 0 : i32
      %sign3A_289 = arith.cmpi slt, %scan3A_285, %sign3A_288 : i32
      %sign3A_290 = arith.extui %sign3A_289 : i1 to i32
      %sign3A_291 = arith.subi %sign3A_287, %sign3A_290 : i32
      %sign3A_292 = arith.constant 0 : i32
      %sign3A_293 = arith.cmpi sgt, %jit3A, %sign3A_292 : i32
      %sign3A_294 = arith.extui %sign3A_293 : i1 to i32
      %sign3A_295 = arith.constant 0 : i32
      %sign3A_296 = arith.cmpi slt, %jit3A, %sign3A_295 : i32
      %sign3A_297 = arith.extui %sign3A_296 : i1 to i32
      %sign3A_298 = arith.subi %sign3A_294, %sign3A_297 : i32
      %ne3A = arith.cmpi ne, %sign3A_291, %sign3A_298 : i32
      %rem3A = arith.remsi %scan3A_285, %jit3A : i32
      %ne3A_299 = arith.constant 0 : i32
      %ne3A_300 = arith.cmpi ne, %rem3A, %ne3A_299 : i32
      %and3A = arith.andi %ne3A, %ne3A_300 : i1
      %sub3A = arith.constant 1 : i32
      %sub3A_301 = arith.subi %div3A, %sub3A : i32
      %select_n3A = arith.select %and3A, %sub3A_301, %div3A : i32
      %jit3A_302 = arith.constant 8 : i32
      %eq3A = arith.constant 0 : i32
      %eq3A_303 = arith.cmpi eq, %jit3A_302, %eq3A : i32
      %jit3A_304 = arith.constant 1 : i32
      %select_n3A_305 = arith.select %eq3A_303, %jit3A_304, %jit3A_302 : i32
      %rem3A_306 = arith.remsi %scan3A_285, %select_n3A_305 : i32
      %ne3A_307 = arith.constant 0 : i32
      %ne3A_308 = arith.cmpi ne, %rem3A_306, %ne3A_307 : i32
      %lt3A = arith.constant 0 : i32
      %lt3A_309 = arith.cmpi slt, %rem3A_306, %lt3A : i32
      %lt3A_310 = arith.constant 0 : i32
      %lt3A_311 = arith.cmpi slt, %select_n3A_305, %lt3A_310 : i32
      %ne3A_312 = arith.xori %lt3A_309, %lt3A_311 : i1
      %and3A_313 = arith.andi %ne3A_312, %ne3A_308 : i1
      %add3A_314 = arith.addi %rem3A_306, %select_n3A_305 : i32
      %select_n3A_315 = arith.select %and3A_313, %add3A_314, %rem3A_306 : i32
      %mul3A_316 = arith.constant 128 : i32
      %mul3A_317 = arith.muli %select_n3A, %mul3A_316 : i32
      %mul3A_318 = arith.constant 16 : i32
      %mul3A_319 = arith.muli %select_n3A_315, %mul3A_318 : i32
      %add3A_320 = arith.addi %mul3A_317, %mul3A_319 : i32
      %get3A = arith.index_cast %add3A_320 : i32 to index
      %get3A_321 = tpu.vector_load %arg6[%get3A] {strides = array<i32>} : memref<512xi32, #tpu.memory_space<vmem>>, vector<16xi32>,
      %get3A_322 = vector.shape_cast %get3A_321 : vector<16xi32> to vector<16xi32>
      %mul3A_323 = arith.constant 1024 : i32
      %mul3A_324 = arith.muli %select_n3A, %mul3A_323 : i32
      %add3A_325 = arith.constant 16384 : i32
      %add3A_326 = arith.addi %add3A_325, %mul3A_324 : i32
      %add3A_327 = arith.constant 0 : i32
      %add3A_328 = arith.addi %add3A_326, %add3A_327 : i32
      %mul3A_329 = arith.constant 16 : i32
      %mul3A_330 = arith.muli %select_n3A_315, %mul3A_329 : i32
      %add3A_331 = arith.addi %add3A_328, %mul3A_330 : i32
      %add3A_332 = arith.constant 33554432 : i32
      %add3A_333 = vector.broadcast %add3A_332 : i32 to vector<16xi32>
      %add3A_334 = arith.addi %get3A_322, %add3A_333 : vector<16xi32>
      %swap3A = arith.index_cast %add3A_331 : i32 to index
      %swap3A_335 = tpu.vector_load %arg7[%swap3A] {strides = array<i32>} : memref<32768xi32, #tpu.memory_space<vmem>>, vector<16xi32>,
      %swap3A_336 = vector.shape_cast %swap3A_335 : vector<16xi32> to vector<16xi32>
      %swap3A_337 = vector.shape_cast %add3A_334 : vector<16xi32> to vector<16xi32>
      tpu.vector_store %arg7[%swap3A], %swap3A_337 {strides = array<i32>} : memref<32768xi32, #tpu.memory_space<vmem>>, vector<16xi32>,
      %mul3A_338 = arith.constant 1024 : i32
      %mul3A_339 = arith.muli %select_n3A, %mul3A_338 : i32
      %add3A_340 = arith.constant 16384 : i32
      %add3A_341 = arith.addi %add3A_340, %mul3A_339 : i32
      %add3A_342 = arith.constant 128 : i32
      %add3A_343 = arith.addi %add3A_341, %add3A_342 : i32
      %mul3A_344 = arith.constant 16 : i32
      %mul3A_345 = arith.muli %select_n3A_315, %mul3A_344 : i32
      %add3A_346 = arith.addi %add3A_343, %mul3A_345 : i32
      %add3A_347 = arith.constant 33554560 : i32
      %add3A_348 = vector.broadcast %add3A_347 : i32 to vector<16xi32>
      %add3A_349 = arith.addi %get3A_322, %add3A_348 : vector<16xi32>
      %swap3A_350 = arith.index_cast %add3A_346 : i32 to index
      %swap3A_351 = tpu.vector_load %arg7[%swap3A_350] {strides = array<i32>} : memref<32768xi32, #tpu.memory_space<vmem>>, vector<16xi32>,
      %swap3A_352 = vector.shape_cast %swap3A_351 : vector<16xi32> to vector<16xi32>
      %swap3A_353 = vector.shape_cast %add3A_349 : vector<16xi32> to vector<16xi32>
      tpu.vector_store %arg7[%swap3A_350], %swap3A_353 {strides = array<i32>} : memref<32768xi32, #tpu.memory_space<vmem>>, vector<16xi32>,
      %mul3A_354 = arith.constant 1024 : i32
      %mul3A_355 = arith.muli %select_n3A, %mul3A_354 : i32
      %add3A_356 = arith.constant 16384 : i32
      %add3A_357 = arith.addi %add3A_356, %mul3A_355 : i32
      %add3A_358 = arith.constant 256 : i32
      %add3A_359 = arith.addi %add3A_357, %add3A_358 : i32
      %mul3A_360 = arith.constant 16 : i32
      %mul3A_361 = arith.muli %select_n3A_315, %mul3A_360 : i32
      %add3A_362 = arith.addi %add3A_359, %mul3A_361 : i32
      %add3A_363 = arith.constant 33554688 : i32
      %add3A_364 = vector.broadcast %add3A_363 : i32 to vector<16xi32>
      %add3A_365 = arith.addi %get3A_322, %add3A_364 : vector<16xi32>
      %swap3A_366 = arith.index_cast %add3A_362 : i32 to index
      %swap3A_367 = tpu.vector_load %arg7[%swap3A_366] {strides = array<i32>} : memref<32768xi32, #tpu.memory_space<vmem>>, vector<16xi32>,
      %swap3A_368 = vector.shape_cast %swap3A_367 : vector<16xi32> to vector<16xi32>
      %swap3A_369 = vector.shape_cast %add3A_365 : vector<16xi32> to vector<16xi32>
      tpu.vector_store %arg7[%swap3A_366], %swap3A_369 {strides = array<i32>} : memref<32768xi32, #tpu.memory_space<vmem>>, vector<16xi32>,
      %mul3A_370 = arith.constant 1024 : i32
      %mul3A_371 = arith.muli %select_n3A, %mul3A_370 : i32
      %add3A_372 = arith.constant 16384 : i32
      %add3A_373 = arith.addi %add3A_372, %mul3A_371 : i32
      %add3A_374 = arith.constant 384 : i32
      %add3A_375 = arith.addi %add3A_373, %add3A_374 : i32
      %mul3A_376 = arith.constant 16 : i32
      %mul3A_377 = arith.muli %select_n3A_315, %mul3A_376 : i32
      %add3A_378 = arith.addi %add3A_375, %mul3A_377 : i32
      %add3A_379 = arith.constant 33554816 : i32
      %add3A_380 = vector.broadcast %add3A_379 : i32 to vector<16xi32>
      %add3A_381 = arith.addi %get3A_322, %add3A_380 : vector<16xi32>
      %swap3A_382 = arith.index_cast %add3A_378 : i32 to index
      %swap3A_383 = tpu.vector_load %arg7[%swap3A_382] {strides = array<i32>} : memref<32768xi32, #tpu.memory_space<vmem>>, vector<16xi32>,
      %swap3A_384 = vector.shape_cast %swap3A_383 : vector<16xi32> to vector<16xi32>
      %swap3A_385 = vector.shape_cast %add3A_381 : vector<16xi32> to vector<16xi32>
      tpu.vector_store %arg7[%swap3A_382], %swap3A_385 {strides = array<i32>} : memref<32768xi32, #tpu.memory_space<vmem>>, vector<16xi32>,
      %mul3A_386 = arith.constant 1024 : i32
      %mul3A_387 = arith.muli %select_n3A, %mul3A_386 : i32
      %add3A_388 = arith.constant 16384 : i32
      %add3A_389 = arith.addi %add3A_388, %mul3A_387 : i32
      %add3A_390 = arith.constant 512 : i32
      %add3A_391 = arith.addi %add3A_389, %add3A_390 : i32
      %mul3A_392 = arith.constant 16 : i32
      %mul3A_393 = arith.muli %select_n3A_315, %mul3A_392 : i32
      %add3A_394 = arith.addi %add3A_391, %mul3A_393 : i32
      %add3A_395 = arith.constant 33554944 : i32
      %add3A_396 = vector.broadcast %add3A_395 : i32 to vector<16xi32>
      %add3A_397 = arith.addi %get3A_322, %add3A_396 : vector<16xi32>
      %swap3A_398 = arith.index_cast %add3A_394 : i32 to index
      %swap3A_399 = tpu.vector_load %arg7[%swap3A_398] {strides = array<i32>} : memref<32768xi32, #tpu.memory_space<vmem>>, vector<16xi32>,
      %swap3A_400 = vector.shape_cast %swap3A_399 : vector<16xi32> to vector<16xi32>
      %swap3A_401 = vector.shape_cast %add3A_397 : vector<16xi32> to vector<16xi32>
      tpu.vector_store %arg7[%swap3A_398], %swap3A_401 {strides = array<i32>} : memref<32768xi32, #tpu.memory_space<vmem>>, vector<16xi32>,
      %mul3A_402 = arith.constant 1024 : i32
      %mul3A_403 = arith.muli %select_n3A, %mul3A_402 : i32
      %add3A_404 = arith.constant 16384 : i32
      %add3A_405 = arith.addi %add3A_404, %mul3A_403 : i32
      %add3A_406 = arith.constant 640 : i32
      %add3A_407 = arith.addi %add3A_405, %add3A_406 : i32
      %mul3A_408 = arith.constant 16 : i32
      %mul3A_409 = arith.muli %select_n3A_315, %mul3A_408 : i32
      %add3A_410 = arith.addi %add3A_407, %mul3A_409 : i32
      %add3A_411 = arith.constant 33555072 : i32
      %add3A_412 = vector.broadcast %add3A_411 : i32 to vector<16xi32>
      %add3A_413 = arith.addi %get3A_322, %add3A_412 : vector<16xi32>
      %swap3A_414 = arith.index_cast %add3A_410 : i32 to index
      %swap3A_415 = tpu.vector_load %arg7[%swap3A_414] {strides = array<i32>} : memref<32768xi32, #tpu.memory_space<vmem>>, vector<16xi32>,
      %swap3A_416 = vector.shape_cast %swap3A_415 : vector<16xi32> to vector<16xi32>
      %swap3A_417 = vector.shape_cast %add3A_413 : vector<16xi32> to vector<16xi32>
      tpu.vector_store %arg7[%swap3A_414], %swap3A_417 {strides = array<i32>} : memref<32768xi32, #tpu.memory_space<vmem>>, vector<16xi32>,
      %mul3A_418 = arith.constant 1024 : i32
      %mul3A_419 = arith.muli %select_n3A, %mul3A_418 : i32
      %add3A_420 = arith.constant 16384 : i32
      %add3A_421 = arith.addi %add3A_420, %mul3A_419 : i32
      %add3A_422 = arith.constant 768 : i32
      %add3A_423 = arith.addi %add3A_421, %add3A_422 : i32
      %mul3A_424 = arith.constant 16 : i32
      %mul3A_425 = arith.muli %select_n3A_315, %mul3A_424 : i32
      %add3A_426 = arith.addi %add3A_423, %mul3A_425 : i32
      %add3A_427 = arith.constant 33555200 : i32
      %add3A_428 = vector.broadcast %add3A_427 : i32 to vector<16xi32>
      %add3A_429 = arith.addi %get3A_322, %add3A_428 : vector<16xi32>
      %swap3A_430 = arith.index_cast %add3A_426 : i32 to index
      %swap3A_431 = tpu.vector_load %arg7[%swap3A_430] {strides = array<i32>} : memref<32768xi32, #tpu.memory_space<vmem>>, vector<16xi32>,
      %swap3A_432 = vector.shape_cast %swap3A_431 : vector<16xi32> to vector<16xi32>
      %swap3A_433 = vector.shape_cast %add3A_429 : vector<16xi32> to vector<16xi32>
      tpu.vector_store %arg7[%swap3A_430], %swap3A_433 {strides = array<i32>} : memref<32768xi32, #tpu.memory_space<vmem>>, vector<16xi32>,
      %mul3A_434 = arith.constant 1024 : i32
      %mul3A_435 = arith.muli %select_n3A, %mul3A_434 : i32
      %add3A_436 = arith.constant 16384 : i32
      %add3A_437 = arith.addi %add3A_436, %mul3A_435 : i32
      %add3A_438 = arith.constant 896 : i32
      %add3A_439 = arith.addi %add3A_437, %add3A_438 : i32
      %mul3A_440 = arith.constant 16 : i32
      %mul3A_441 = arith.muli %select_n3A_315, %mul3A_440 : i32
      %add3A_442 = arith.addi %add3A_439, %mul3A_441 : i32
      %add3A_443 = arith.constant 33555328 : i32
      %add3A_444 = vector.broadcast %add3A_443 : i32 to vector<16xi32>
      %add3A_445 = arith.addi %get3A_322, %add3A_444 : vector<16xi32>
      %swap3A_446 = arith.index_cast %add3A_442 : i32 to index
      %swap3A_447 = tpu.vector_load %arg7[%swap3A_446] {strides = array<i32>} : memref<32768xi32, #tpu.memory_space<vmem>>, vector<16xi32>,
      %swap3A_448 = vector.shape_cast %swap3A_447 : vector<16xi32> to vector<16xi32>
      %swap3A_449 = vector.shape_cast %add3A_445 : vector<16xi32> to vector<16xi32>
      tpu.vector_store %arg7[%swap3A_446], %swap3A_449 {strides = array<i32>} : memref<32768xi32, #tpu.memory_space<vmem>>, vector<16xi32>,
    }
    %scan3A_107 = arith.constant 32 : i32
    %dma_start3A_108 = arith.constant 16384 : i32
    %dma_start3A_109 = tpu.memref_slice %arg8[%dma_start3A_108] : memref<32768xf32, #tpu.memory_space<vmem>> -> memref<4096xf32, #tpu.memory_space<vmem>>
    %dma_start3A_110 = arith.constant 16384 : i32
    %dma_start3A_111 = tpu.memref_slice %arg7[%dma_start3A_110] : memref<32768xi32, #tpu.memory_space<vmem>> -> memref<4096xi32, #tpu.memory_space<vmem>>
    %dma_start3A_112 = arith.constant 0 : i32
    %dma_start3A_113 = tpu.memref_slice %arg3[%dma_start3A_112] : memref<67108864xf32, #tpu.memory_space<hbm>> -> memref<67108864xf32, #tpu.memory_space<hbm>>
    tpu.enqueue_indirect_dma source(%dma_start3A_113 : memref<67108864xf32, #tpu.memory_space<hbm>>) target(%dma_start3A_109 : memref<4096xf32, #tpu.memory_space<vmem>>) offsets(%dma_start3A_111 : memref<4096xi32, #tpu.memory_space<vmem>>) semaphore(%arg14 : memref<!tpu.dma_semaphore, #tpu.memory_space<semaphore_mem>>)
    %dma_wait3A_114 = arith.constant 12288 : i32
    %dma_wait3A_115 = tpu.memref_slice %arg8[%dma_wait3A_114] : memref<32768xf32, #tpu.memory_space<vmem>> -> memref<4096xf32, #tpu.memory_space<vmem>>
    %dma_wait3A_116 = arith.constant 12288 : i32
    %dma_wait3A_117 = tpu.memref_slice %arg7[%dma_wait3A_116] : memref<32768xi32, #tpu.memory_space<vmem>> -> memref<4096xi32, #tpu.memory_space<vmem>>
    %dma_wait3A_118 = arith.constant 0 : i32
    %dma_wait3A_119 = tpu.memref_slice %arg3[%dma_wait3A_118] : memref<67108864xf32, #tpu.memory_space<hbm>> -> memref<67108864xf32, #tpu.memory_space<hbm>>
    tpu.wait_indirect_dma semaphore(%arg13 : memref<!tpu.dma_semaphore, #tpu.memory_space<semaphore_mem>>) src(%dma_wait3A_119 : memref<67108864xf32, #tpu.memory_space<hbm>>) dst(%dma_wait3A_115 : memref<4096xf32, #tpu.memory_space<vmem>>)
    %mul3A_120 = arith.constant 4 : i32
    %mul3A_121 = arith.muli %mul3A_120, %add3A : i32
    %add3A_122 = arith.constant 384 : i32
    %add3A_123 = arith.addi %add3A_122, %mul3A_121 : i32
    %mul3A_124 = arith.constant 1024 : i32
    %mul3A_125 = arith.muli %add3A_123, %mul3A_124 : i32
    %dma_start3A_126 = arith.constant 12288 : i32
    %dma_start3A_127 = tpu.memref_slice %arg8[%dma_start3A_126] : memref<32768xf32, #tpu.memory_space<vmem>> -> memref<4096xf32, #tpu.memory_space<vmem>>
    %dma_start3A_128 = tpu.memref_slice %arg4[%mul3A_125] : memref<1048576xf32, #tpu.memory_space<hbm>> -> memref<4096xf32, #tpu.memory_space<hbm>>
    %dma_start3A_129 = tpu.memref_slice %arg4[%mul3A_125] : memref<1048576xf32, #tpu.memory_space<hbm>> -> memref<4096xf32, #tpu.memory_space<hbm>>
    %dma_start3A_130 = arith.constant 12288 : i32
    %dma_start3A_131 = tpu.memref_slice %arg8[%dma_start3A_130] : memref<32768xf32, #tpu.memory_space<vmem>> -> memref<4096xf32, #tpu.memory_space<vmem>>
    tpu.enqueue_dma source(%dma_start3A_131 : memref<4096xf32, #tpu.memory_space<vmem>>) target(%dma_start3A_129 : memref<4096xf32, #tpu.memory_space<hbm>>) target_semaphore(%arg9 : memref<!tpu.dma_semaphore, #tpu.memory_space<semaphore_mem>>)
    %scan3A_132 = arith.constant 0 : i32
    %scan3A_133 = arith.constant 32 : i32
    %scan3A_134 = arith.addi %scan3A_132, %scan3A_133 : i32
    %scan3A_135 = arith.constant 1 : i32
    scf.for %scan3A_285 = %scan3A_132 to %scan3A_134 step %scan3A_135  : i32 {
      %jit3A = arith.constant 8 : i32
      %div3A = arith.divsi %scan3A_285, %jit3A : i32
      %sign3A = arith.constant 0 : i32
      %sign3A_286 = arith.cmpi sgt, %scan3A_285, %sign3A : i32
      %sign3A_287 = arith.extui %sign3A_286 : i1 to i32
      %sign3A_288 = arith.constant 0 : i32
      %sign3A_289 = arith.cmpi slt, %scan3A_285, %sign3A_288 : i32
      %sign3A_290 = arith.extui %sign3A_289 : i1 to i32
      %sign3A_291 = arith.subi %sign3A_287, %sign3A_290 : i32
      %sign3A_292 = arith.constant 0 : i32
      %sign3A_293 = arith.cmpi sgt, %jit3A, %sign3A_292 : i32
      %sign3A_294 = arith.extui %sign3A_293 : i1 to i32
      %sign3A_295 = arith.constant 0 : i32
      %sign3A_296 = arith.cmpi slt, %jit3A, %sign3A_295 : i32
      %sign3A_297 = arith.extui %sign3A_296 : i1 to i32
      %sign3A_298 = arith.subi %sign3A_294, %sign3A_297 : i32
      %ne3A = arith.cmpi ne, %sign3A_291, %sign3A_298 : i32
      %rem3A = arith.remsi %scan3A_285, %jit3A : i32
      %ne3A_299 = arith.constant 0 : i32
      %ne3A_300 = arith.cmpi ne, %rem3A, %ne3A_299 : i32
      %and3A = arith.andi %ne3A, %ne3A_300 : i1
      %sub3A = arith.constant 1 : i32
      %sub3A_301 = arith.subi %div3A, %sub3A : i32
      %select_n3A = arith.select %and3A, %sub3A_301, %div3A : i32
      %jit3A_302 = arith.constant 8 : i32
      %eq3A = arith.constant 0 : i32
      %eq3A_303 = arith.cmpi eq, %jit3A_302, %eq3A : i32
      %jit3A_304 = arith.constant 1 : i32
      %select_n3A_305 = arith.select %eq3A_303, %jit3A_304, %jit3A_302 : i32
      %rem3A_306 = arith.remsi %scan3A_285, %select_n3A_305 : i32
      %ne3A_307 = arith.constant 0 : i32
      %ne3A_308 = arith.cmpi ne, %rem3A_306, %ne3A_307 : i32
      %lt3A = arith.constant 0 : i32
      %lt3A_309 = arith.cmpi slt, %rem3A_306, %lt3A : i32
      %lt3A_310 = arith.constant 0 : i32
      %lt3A_311 = arith.cmpi slt, %select_n3A_305, %lt3A_310 : i32
      %ne3A_312 = arith.xori %lt3A_309, %lt3A_311 : i1
      %and3A_313 = arith.andi %ne3A_312, %ne3A_308 : i1
      %add3A_314 = arith.addi %rem3A_306, %select_n3A_305 : i32
      %select_n3A_315 = arith.select %and3A_313, %add3A_314, %rem3A_306 : i32
      %mul3A_316 = arith.constant 128 : i32
      %mul3A_317 = arith.muli %select_n3A, %mul3A_316 : i32
      %mul3A_318 = arith.constant 16 : i32
      %mul3A_319 = arith.muli %select_n3A_315, %mul3A_318 : i32
      %add3A_320 = arith.addi %mul3A_317, %mul3A_319 : i32
      %get3A = arith.index_cast %add3A_320 : i32 to index
      %get3A_321 = tpu.vector_load %arg6[%get3A] {strides = array<i32>} : memref<512xi32, #tpu.memory_space<vmem>>, vector<16xi32>,
      %get3A_322 = vector.shape_cast %get3A_321 : vector<16xi32> to vector<16xi32>
      %mul3A_323 = arith.constant 1024 : i32
      %mul3A_324 = arith.muli %select_n3A, %mul3A_323 : i32
      %add3A_325 = arith.constant 20480 : i32
      %add3A_326 = arith.addi %add3A_325, %mul3A_324 : i32
      %add3A_327 = arith.constant 0 : i32
      %add3A_328 = arith.addi %add3A_326, %add3A_327 : i32
      %mul3A_329 = arith.constant 16 : i32
      %mul3A_330 = arith.muli %select_n3A_315, %mul3A_329 : i32
      %add3A_331 = arith.addi %add3A_328, %mul3A_330 : i32
      %add3A_332 = arith.constant 41943040 : i32
      %add3A_333 = vector.broadcast %add3A_332 : i32 to vector<16xi32>
      %add3A_334 = arith.addi %get3A_322, %add3A_333 : vector<16xi32>
      %swap3A = arith.index_cast %add3A_331 : i32 to index
      %swap3A_335 = tpu.vector_load %arg7[%swap3A] {strides = array<i32>} : memref<32768xi32, #tpu.memory_space<vmem>>, vector<16xi32>,
      %swap3A_336 = vector.shape_cast %swap3A_335 : vector<16xi32> to vector<16xi32>
      %swap3A_337 = vector.shape_cast %add3A_334 : vector<16xi32> to vector<16xi32>
      tpu.vector_store %arg7[%swap3A], %swap3A_337 {strides = array<i32>} : memref<32768xi32, #tpu.memory_space<vmem>>, vector<16xi32>,
      %mul3A_338 = arith.constant 1024 : i32
      %mul3A_339 = arith.muli %select_n3A, %mul3A_338 : i32
      %add3A_340 = arith.constant 20480 : i32
      %add3A_341 = arith.addi %add3A_340, %mul3A_339 : i32
      %add3A_342 = arith.constant 128 : i32
      %add3A_343 = arith.addi %add3A_341, %add3A_342 : i32
      %mul3A_344 = arith.constant 16 : i32
      %mul3A_345 = arith.muli %select_n3A_315, %mul3A_344 : i32
      %add3A_346 = arith.addi %add3A_343, %mul3A_345 : i32
      %add3A_347 = arith.constant 41943168 : i32
      %add3A_348 = vector.broadcast %add3A_347 : i32 to vector<16xi32>
      %add3A_349 = arith.addi %get3A_322, %add3A_348 : vector<16xi32>
      %swap3A_350 = arith.index_cast %add3A_346 : i32 to index
      %swap3A_351 = tpu.vector_load %arg7[%swap3A_350] {strides = array<i32>} : memref<32768xi32, #tpu.memory_space<vmem>>, vector<16xi32>,
      %swap3A_352 = vector.shape_cast %swap3A_351 : vector<16xi32> to vector<16xi32>
      %swap3A_353 = vector.shape_cast %add3A_349 : vector<16xi32> to vector<16xi32>
      tpu.vector_store %arg7[%swap3A_350], %swap3A_353 {strides = array<i32>} : memref<32768xi32, #tpu.memory_space<vmem>>, vector<16xi32>,
      %mul3A_354 = arith.constant 1024 : i32
      %mul3A_355 = arith.muli %select_n3A, %mul3A_354 : i32
      %add3A_356 = arith.constant 20480 : i32
      %add3A_357 = arith.addi %add3A_356, %mul3A_355 : i32
      %add3A_358 = arith.constant 256 : i32
      %add3A_359 = arith.addi %add3A_357, %add3A_358 : i32
      %mul3A_360 = arith.constant 16 : i32
      %mul3A_361 = arith.muli %select_n3A_315, %mul3A_360 : i32
      %add3A_362 = arith.addi %add3A_359, %mul3A_361 : i32
      %add3A_363 = arith.constant 41943296 : i32
      %add3A_364 = vector.broadcast %add3A_363 : i32 to vector<16xi32>
      %add3A_365 = arith.addi %get3A_322, %add3A_364 : vector<16xi32>
      %swap3A_366 = arith.index_cast %add3A_362 : i32 to index
      %swap3A_367 = tpu.vector_load %arg7[%swap3A_366] {strides = array<i32>} : memref<32768xi32, #tpu.memory_space<vmem>>, vector<16xi32>,
      %swap3A_368 = vector.shape_cast %swap3A_367 : vector<16xi32> to vector<16xi32>
      %swap3A_369 = vector.shape_cast %add3A_365 : vector<16xi32> to vector<16xi32>
      tpu.vector_store %arg7[%swap3A_366], %swap3A_369 {strides = array<i32>} : memref<32768xi32, #tpu.memory_space<vmem>>, vector<16xi32>,
      %mul3A_370 = arith.constant 1024 : i32
      %mul3A_371 = arith.muli %select_n3A, %mul3A_370 : i32
      %add3A_372 = arith.constant 20480 : i32
      %add3A_373 = arith.addi %add3A_372, %mul3A_371 : i32
      %add3A_374 = arith.constant 384 : i32
      %add3A_375 = arith.addi %add3A_373, %add3A_374 : i32
      %mul3A_376 = arith.constant 16 : i32
      %mul3A_377 = arith.muli %select_n3A_315, %mul3A_376 : i32
      %add3A_378 = arith.addi %add3A_375, %mul3A_377 : i32
      %add3A_379 = arith.constant 41943424 : i32
      %add3A_380 = vector.broadcast %add3A_379 : i32 to vector<16xi32>
      %add3A_381 = arith.addi %get3A_322, %add3A_380 : vector<16xi32>
      %swap3A_382 = arith.index_cast %add3A_378 : i32 to index
      %swap3A_383 = tpu.vector_load %arg7[%swap3A_382] {strides = array<i32>} : memref<32768xi32, #tpu.memory_space<vmem>>, vector<16xi32>,
      %swap3A_384 = vector.shape_cast %swap3A_383 : vector<16xi32> to vector<16xi32>
      %swap3A_385 = vector.shape_cast %add3A_381 : vector<16xi32> to vector<16xi32>
      tpu.vector_store %arg7[%swap3A_382], %swap3A_385 {strides = array<i32>} : memref<32768xi32, #tpu.memory_space<vmem>>, vector<16xi32>,
      %mul3A_386 = arith.constant 1024 : i32
      %mul3A_387 = arith.muli %select_n3A, %mul3A_386 : i32
      %add3A_388 = arith.constant 20480 : i32
      %add3A_389 = arith.addi %add3A_388, %mul3A_387 : i32
      %add3A_390 = arith.constant 512 : i32
      %add3A_391 = arith.addi %add3A_389, %add3A_390 : i32
      %mul3A_392 = arith.constant 16 : i32
      %mul3A_393 = arith.muli %select_n3A_315, %mul3A_392 : i32
      %add3A_394 = arith.addi %add3A_391, %mul3A_393 : i32
      %add3A_395 = arith.constant 41943552 : i32
      %add3A_396 = vector.broadcast %add3A_395 : i32 to vector<16xi32>
      %add3A_397 = arith.addi %get3A_322, %add3A_396 : vector<16xi32>
      %swap3A_398 = arith.index_cast %add3A_394 : i32 to index
      %swap3A_399 = tpu.vector_load %arg7[%swap3A_398] {strides = array<i32>} : memref<32768xi32, #tpu.memory_space<vmem>>, vector<16xi32>,
      %swap3A_400 = vector.shape_cast %swap3A_399 : vector<16xi32> to vector<16xi32>
      %swap3A_401 = vector.shape_cast %add3A_397 : vector<16xi32> to vector<16xi32>
      tpu.vector_store %arg7[%swap3A_398], %swap3A_401 {strides = array<i32>} : memref<32768xi32, #tpu.memory_space<vmem>>, vector<16xi32>,
      %mul3A_402 = arith.constant 1024 : i32
      %mul3A_403 = arith.muli %select_n3A, %mul3A_402 : i32
      %add3A_404 = arith.constant 20480 : i32
      %add3A_405 = arith.addi %add3A_404, %mul3A_403 : i32
      %add3A_406 = arith.constant 640 : i32
      %add3A_407 = arith.addi %add3A_405, %add3A_406 : i32
      %mul3A_408 = arith.constant 16 : i32
      %mul3A_409 = arith.muli %select_n3A_315, %mul3A_408 : i32
      %add3A_410 = arith.addi %add3A_407, %mul3A_409 : i32
      %add3A_411 = arith.constant 41943680 : i32
      %add3A_412 = vector.broadcast %add3A_411 : i32 to vector<16xi32>
      %add3A_413 = arith.addi %get3A_322, %add3A_412 : vector<16xi32>
      %swap3A_414 = arith.index_cast %add3A_410 : i32 to index
      %swap3A_415 = tpu.vector_load %arg7[%swap3A_414] {strides = array<i32>} : memref<32768xi32, #tpu.memory_space<vmem>>, vector<16xi32>,
      %swap3A_416 = vector.shape_cast %swap3A_415 : vector<16xi32> to vector<16xi32>
      %swap3A_417 = vector.shape_cast %add3A_413 : vector<16xi32> to vector<16xi32>
      tpu.vector_store %arg7[%swap3A_414], %swap3A_417 {strides = array<i32>} : memref<32768xi32, #tpu.memory_space<vmem>>, vector<16xi32>,
      %mul3A_418 = arith.constant 1024 : i32
      %mul3A_419 = arith.muli %select_n3A, %mul3A_418 : i32
      %add3A_420 = arith.constant 20480 : i32
      %add3A_421 = arith.addi %add3A_420, %mul3A_419 : i32
      %add3A_422 = arith.constant 768 : i32
      %add3A_423 = arith.addi %add3A_421, %add3A_422 : i32
      %mul3A_424 = arith.constant 16 : i32
      %mul3A_425 = arith.muli %select_n3A_315, %mul3A_424 : i32
      %add3A_426 = arith.addi %add3A_423, %mul3A_425 : i32
      %add3A_427 = arith.constant 41943808 : i32
      %add3A_428 = vector.broadcast %add3A_427 : i32 to vector<16xi32>
      %add3A_429 = arith.addi %get3A_322, %add3A_428 : vector<16xi32>
      %swap3A_430 = arith.index_cast %add3A_426 : i32 to index
      %swap3A_431 = tpu.vector_load %arg7[%swap3A_430] {strides = array<i32>} : memref<32768xi32, #tpu.memory_space<vmem>>, vector<16xi32>,
      %swap3A_432 = vector.shape_cast %swap3A_431 : vector<16xi32> to vector<16xi32>
      %swap3A_433 = vector.shape_cast %add3A_429 : vector<16xi32> to vector<16xi32>
      tpu.vector_store %arg7[%swap3A_430], %swap3A_433 {strides = array<i32>} : memref<32768xi32, #tpu.memory_space<vmem>>, vector<16xi32>,
      %mul3A_434 = arith.constant 1024 : i32
      %mul3A_435 = arith.muli %select_n3A, %mul3A_434 : i32
      %add3A_436 = arith.constant 20480 : i32
      %add3A_437 = arith.addi %add3A_436, %mul3A_435 : i32
      %add3A_438 = arith.constant 896 : i32
      %add3A_439 = arith.addi %add3A_437, %add3A_438 : i32
      %mul3A_440 = arith.constant 16 : i32
      %mul3A_441 = arith.muli %select_n3A_315, %mul3A_440 : i32
      %add3A_442 = arith.addi %add3A_439, %mul3A_441 : i32
      %add3A_443 = arith.constant 41943936 : i32
      %add3A_444 = vector.broadcast %add3A_443 : i32 to vector<16xi32>
      %add3A_445 = arith.addi %get3A_322, %add3A_444 : vector<16xi32>
      %swap3A_446 = arith.index_cast %add3A_442 : i32 to index
      %swap3A_447 = tpu.vector_load %arg7[%swap3A_446] {strides = array<i32>} : memref<32768xi32, #tpu.memory_space<vmem>>, vector<16xi32>,
      %swap3A_448 = vector.shape_cast %swap3A_447 : vector<16xi32> to vector<16xi32>
      %swap3A_449 = vector.shape_cast %add3A_445 : vector<16xi32> to vector<16xi32>
      tpu.vector_store %arg7[%swap3A_446], %swap3A_449 {strides = array<i32>} : memref<32768xi32, #tpu.memory_space<vmem>>, vector<16xi32>,
    }
    %scan3A_136 = arith.constant 32 : i32
    %dma_start3A_137 = arith.constant 20480 : i32
    %dma_start3A_138 = tpu.memref_slice %arg8[%dma_start3A_137] : memref<32768xf32, #tpu.memory_space<vmem>> -> memref<4096xf32, #tpu.memory_space<vmem>>
    %dma_start3A_139 = arith.constant 20480 : i32
    %dma_start3A_140 = tpu.memref_slice %arg7[%dma_start3A_139] : memref<32768xi32, #tpu.memory_space<vmem>> -> memref<4096xi32, #tpu.memory_space<vmem>>
    %dma_start3A_141 = arith.constant 0 : i32
    %dma_start3A_142 = tpu.memref_slice %arg3[%dma_start3A_141] : memref<67108864xf32, #tpu.memory_space<hbm>> -> memref<67108864xf32, #tpu.memory_space<hbm>>
    tpu.enqueue_indirect_dma source(%dma_start3A_142 : memref<67108864xf32, #tpu.memory_space<hbm>>) target(%dma_start3A_138 : memref<4096xf32, #tpu.memory_space<vmem>>) offsets(%dma_start3A_140 : memref<4096xi32, #tpu.memory_space<vmem>>) semaphore(%arg15 : memref<!tpu.dma_semaphore, #tpu.memory_space<semaphore_mem>>)
    %dma_wait3A_143 = arith.constant 16384 : i32
    %dma_wait3A_144 = tpu.memref_slice %arg8[%dma_wait3A_143] : memref<32768xf32, #tpu.memory_space<vmem>> -> memref<4096xf32, #tpu.memory_space<vmem>>
    %dma_wait3A_145 = arith.constant 16384 : i32
    %dma_wait3A_146 = tpu.memref_slice %arg7[%dma_wait3A_145] : memref<32768xi32, #tpu.memory_space<vmem>> -> memref<4096xi32, #tpu.memory_space<vmem>>
    %dma_wait3A_147 = arith.constant 0 : i32
    %dma_wait3A_148 = tpu.memref_slice %arg3[%dma_wait3A_147] : memref<67108864xf32, #tpu.memory_space<hbm>> -> memref<67108864xf32, #tpu.memory_space<hbm>>
    tpu.wait_indirect_dma semaphore(%arg14 : memref<!tpu.dma_semaphore, #tpu.memory_space<semaphore_mem>>) src(%dma_wait3A_148 : memref<67108864xf32, #tpu.memory_space<hbm>>) dst(%dma_wait3A_144 : memref<4096xf32, #tpu.memory_space<vmem>>)
    %mul3A_149 = arith.constant 4 : i32
    %mul3A_150 = arith.muli %mul3A_149, %add3A : i32
    %add3A_151 = arith.constant 512 : i32
    %add3A_152 = arith.addi %add3A_151, %mul3A_150 : i32
    %mul3A_153 = arith.constant 1024 : i32
    %mul3A_154 = arith.muli %add3A_152, %mul3A_153 : i32
    %dma_start3A_155 = arith.constant 16384 : i32
    %dma_start3A_156 = tpu.memref_slice %arg8[%dma_start3A_155] : memref<32768xf32, #tpu.memory_space<vmem>> -> memref<4096xf32, #tpu.memory_space<vmem>>
    %dma_start3A_157 = tpu.memref_slice %arg4[%mul3A_154] : memref<1048576xf32, #tpu.memory_space<hbm>> -> memref<4096xf32, #tpu.memory_space<hbm>>
    %dma_start3A_158 = tpu.memref_slice %arg4[%mul3A_154] : memref<1048576xf32, #tpu.memory_space<hbm>> -> memref<4096xf32, #tpu.memory_space<hbm>>
    %dma_start3A_159 = arith.constant 16384 : i32
    %dma_start3A_160 = tpu.memref_slice %arg8[%dma_start3A_159] : memref<32768xf32, #tpu.memory_space<vmem>> -> memref<4096xf32, #tpu.memory_space<vmem>>
    tpu.enqueue_dma source(%dma_start3A_160 : memref<4096xf32, #tpu.memory_space<vmem>>) target(%dma_start3A_158 : memref<4096xf32, #tpu.memory_space<hbm>>) target_semaphore(%arg9 : memref<!tpu.dma_semaphore, #tpu.memory_space<semaphore_mem>>)
    %scan3A_161 = arith.constant 0 : i32
    %scan3A_162 = arith.constant 32 : i32
    %scan3A_163 = arith.addi %scan3A_161, %scan3A_162 : i32
    %scan3A_164 = arith.constant 1 : i32
    scf.for %scan3A_285 = %scan3A_161 to %scan3A_163 step %scan3A_164  : i32 {
      %jit3A = arith.constant 8 : i32
      %div3A = arith.divsi %scan3A_285, %jit3A : i32
      %sign3A = arith.constant 0 : i32
      %sign3A_286 = arith.cmpi sgt, %scan3A_285, %sign3A : i32
      %sign3A_287 = arith.extui %sign3A_286 : i1 to i32
      %sign3A_288 = arith.constant 0 : i32
      %sign3A_289 = arith.cmpi slt, %scan3A_285, %sign3A_288 : i32
      %sign3A_290 = arith.extui %sign3A_289 : i1 to i32
      %sign3A_291 = arith.subi %sign3A_287, %sign3A_290 : i32
      %sign3A_292 = arith.constant 0 : i32
      %sign3A_293 = arith.cmpi sgt, %jit3A, %sign3A_292 : i32
      %sign3A_294 = arith.extui %sign3A_293 : i1 to i32
      %sign3A_295 = arith.constant 0 : i32
      %sign3A_296 = arith.cmpi slt, %jit3A, %sign3A_295 : i32
      %sign3A_297 = arith.extui %sign3A_296 : i1 to i32
      %sign3A_298 = arith.subi %sign3A_294, %sign3A_297 : i32
      %ne3A = arith.cmpi ne, %sign3A_291, %sign3A_298 : i32
      %rem3A = arith.remsi %scan3A_285, %jit3A : i32
      %ne3A_299 = arith.constant 0 : i32
      %ne3A_300 = arith.cmpi ne, %rem3A, %ne3A_299 : i32
      %and3A = arith.andi %ne3A, %ne3A_300 : i1
      %sub3A = arith.constant 1 : i32
      %sub3A_301 = arith.subi %div3A, %sub3A : i32
      %select_n3A = arith.select %and3A, %sub3A_301, %div3A : i32
      %jit3A_302 = arith.constant 8 : i32
      %eq3A = arith.constant 0 : i32
      %eq3A_303 = arith.cmpi eq, %jit3A_302, %eq3A : i32
      %jit3A_304 = arith.constant 1 : i32
      %select_n3A_305 = arith.select %eq3A_303, %jit3A_304, %jit3A_302 : i32
      %rem3A_306 = arith.remsi %scan3A_285, %select_n3A_305 : i32
      %ne3A_307 = arith.constant 0 : i32
      %ne3A_308 = arith.cmpi ne, %rem3A_306, %ne3A_307 : i32
      %lt3A = arith.constant 0 : i32
      %lt3A_309 = arith.cmpi slt, %rem3A_306, %lt3A : i32
      %lt3A_310 = arith.constant 0 : i32
      %lt3A_311 = arith.cmpi slt, %select_n3A_305, %lt3A_310 : i32
      %ne3A_312 = arith.xori %lt3A_309, %lt3A_311 : i1
      %and3A_313 = arith.andi %ne3A_312, %ne3A_308 : i1
      %add3A_314 = arith.addi %rem3A_306, %select_n3A_305 : i32
      %select_n3A_315 = arith.select %and3A_313, %add3A_314, %rem3A_306 : i32
      %mul3A_316 = arith.constant 128 : i32
      %mul3A_317 = arith.muli %select_n3A, %mul3A_316 : i32
      %mul3A_318 = arith.constant 16 : i32
      %mul3A_319 = arith.muli %select_n3A_315, %mul3A_318 : i32
      %add3A_320 = arith.addi %mul3A_317, %mul3A_319 : i32
      %get3A = arith.index_cast %add3A_320 : i32 to index
      %get3A_321 = tpu.vector_load %arg6[%get3A] {strides = array<i32>} : memref<512xi32, #tpu.memory_space<vmem>>, vector<16xi32>,
      %get3A_322 = vector.shape_cast %get3A_321 : vector<16xi32> to vector<16xi32>
      %mul3A_323 = arith.constant 1024 : i32
      %mul3A_324 = arith.muli %select_n3A, %mul3A_323 : i32
      %add3A_325 = arith.constant 24576 : i32
      %add3A_326 = arith.addi %add3A_325, %mul3A_324 : i32
      %add3A_327 = arith.constant 0 : i32
      %add3A_328 = arith.addi %add3A_326, %add3A_327 : i32
      %mul3A_329 = arith.constant 16 : i32
      %mul3A_330 = arith.muli %select_n3A_315, %mul3A_329 : i32
      %add3A_331 = arith.addi %add3A_328, %mul3A_330 : i32
      %add3A_332 = arith.constant 50331648 : i32
      %add3A_333 = vector.broadcast %add3A_332 : i32 to vector<16xi32>
      %add3A_334 = arith.addi %get3A_322, %add3A_333 : vector<16xi32>
      %swap3A = arith.index_cast %add3A_331 : i32 to index
      %swap3A_335 = tpu.vector_load %arg7[%swap3A] {strides = array<i32>} : memref<32768xi32, #tpu.memory_space<vmem>>, vector<16xi32>,
      %swap3A_336 = vector.shape_cast %swap3A_335 : vector<16xi32> to vector<16xi32>
      %swap3A_337 = vector.shape_cast %add3A_334 : vector<16xi32> to vector<16xi32>
      tpu.vector_store %arg7[%swap3A], %swap3A_337 {strides = array<i32>} : memref<32768xi32, #tpu.memory_space<vmem>>, vector<16xi32>,
      %mul3A_338 = arith.constant 1024 : i32
      %mul3A_339 = arith.muli %select_n3A, %mul3A_338 : i32
      %add3A_340 = arith.constant 24576 : i32
      %add3A_341 = arith.addi %add3A_340, %mul3A_339 : i32
      %add3A_342 = arith.constant 128 : i32
      %add3A_343 = arith.addi %add3A_341, %add3A_342 : i32
      %mul3A_344 = arith.constant 16 : i32
      %mul3A_345 = arith.muli %select_n3A_315, %mul3A_344 : i32
      %add3A_346 = arith.addi %add3A_343, %mul3A_345 : i32
      %add3A_347 = arith.constant 50331776 : i32
      %add3A_348 = vector.broadcast %add3A_347 : i32 to vector<16xi32>
      %add3A_349 = arith.addi %get3A_322, %add3A_348 : vector<16xi32>
      %swap3A_350 = arith.index_cast %add3A_346 : i32 to index
      %swap3A_351 = tpu.vector_load %arg7[%swap3A_350] {strides = array<i32>} : memref<32768xi32, #tpu.memory_space<vmem>>, vector<16xi32>,
      %swap3A_352 = vector.shape_cast %swap3A_351 : vector<16xi32> to vector<16xi32>
      %swap3A_353 = vector.shape_cast %add3A_349 : vector<16xi32> to vector<16xi32>
      tpu.vector_store %arg7[%swap3A_350], %swap3A_353 {strides = array<i32>} : memref<32768xi32, #tpu.memory_space<vmem>>, vector<16xi32>,
      %mul3A_354 = arith.constant 1024 : i32
      %mul3A_355 = arith.muli %select_n3A, %mul3A_354 : i32
      %add3A_356 = arith.constant 24576 : i32
      %add3A_357 = arith.addi %add3A_356, %mul3A_355 : i32
      %add3A_358 = arith.constant 256 : i32
      %add3A_359 = arith.addi %add3A_357, %add3A_358 : i32
      %mul3A_360 = arith.constant 16 : i32
      %mul3A_361 = arith.muli %select_n3A_315, %mul3A_360 : i32
      %add3A_362 = arith.addi %add3A_359, %mul3A_361 : i32
      %add3A_363 = arith.constant 50331904 : i32
      %add3A_364 = vector.broadcast %add3A_363 : i32 to vector<16xi32>
      %add3A_365 = arith.addi %get3A_322, %add3A_364 : vector<16xi32>
      %swap3A_366 = arith.index_cast %add3A_362 : i32 to index
      %swap3A_367 = tpu.vector_load %arg7[%swap3A_366] {strides = array<i32>} : memref<32768xi32, #tpu.memory_space<vmem>>, vector<16xi32>,
      %swap3A_368 = vector.shape_cast %swap3A_367 : vector<16xi32> to vector<16xi32>
      %swap3A_369 = vector.shape_cast %add3A_365 : vector<16xi32> to vector<16xi32>
      tpu.vector_store %arg7[%swap3A_366], %swap3A_369 {strides = array<i32>} : memref<32768xi32, #tpu.memory_space<vmem>>, vector<16xi32>,
      %mul3A_370 = arith.constant 1024 : i32
      %mul3A_371 = arith.muli %select_n3A, %mul3A_370 : i32
      %add3A_372 = arith.constant 24576 : i32
      %add3A_373 = arith.addi %add3A_372, %mul3A_371 : i32
      %add3A_374 = arith.constant 384 : i32
      %add3A_375 = arith.addi %add3A_373, %add3A_374 : i32
      %mul3A_376 = arith.constant 16 : i32
      %mul3A_377 = arith.muli %select_n3A_315, %mul3A_376 : i32
      %add3A_378 = arith.addi %add3A_375, %mul3A_377 : i32
      %add3A_379 = arith.constant 50332032 : i32
      %add3A_380 = vector.broadcast %add3A_379 : i32 to vector<16xi32>
      %add3A_381 = arith.addi %get3A_322, %add3A_380 : vector<16xi32>
      %swap3A_382 = arith.index_cast %add3A_378 : i32 to index
      %swap3A_383 = tpu.vector_load %arg7[%swap3A_382] {strides = array<i32>} : memref<32768xi32, #tpu.memory_space<vmem>>, vector<16xi32>,
      %swap3A_384 = vector.shape_cast %swap3A_383 : vector<16xi32> to vector<16xi32>
      %swap3A_385 = vector.shape_cast %add3A_381 : vector<16xi32> to vector<16xi32>
      tpu.vector_store %arg7[%swap3A_382], %swap3A_385 {strides = array<i32>} : memref<32768xi32, #tpu.memory_space<vmem>>, vector<16xi32>,
      %mul3A_386 = arith.constant 1024 : i32
      %mul3A_387 = arith.muli %select_n3A, %mul3A_386 : i32
      %add3A_388 = arith.constant 24576 : i32
      %add3A_389 = arith.addi %add3A_388, %mul3A_387 : i32
      %add3A_390 = arith.constant 512 : i32
      %add3A_391 = arith.addi %add3A_389, %add3A_390 : i32
      %mul3A_392 = arith.constant 16 : i32
      %mul3A_393 = arith.muli %select_n3A_315, %mul3A_392 : i32
      %add3A_394 = arith.addi %add3A_391, %mul3A_393 : i32
      %add3A_395 = arith.constant 50332160 : i32
      %add3A_396 = vector.broadcast %add3A_395 : i32 to vector<16xi32>
      %add3A_397 = arith.addi %get3A_322, %add3A_396 : vector<16xi32>
      %swap3A_398 = arith.index_cast %add3A_394 : i32 to index
      %swap3A_399 = tpu.vector_load %arg7[%swap3A_398] {strides = array<i32>} : memref<32768xi32, #tpu.memory_space<vmem>>, vector<16xi32>,
      %swap3A_400 = vector.shape_cast %swap3A_399 : vector<16xi32> to vector<16xi32>
      %swap3A_401 = vector.shape_cast %add3A_397 : vector<16xi32> to vector<16xi32>
      tpu.vector_store %arg7[%swap3A_398], %swap3A_401 {strides = array<i32>} : memref<32768xi32, #tpu.memory_space<vmem>>, vector<16xi32>,
      %mul3A_402 = arith.constant 1024 : i32
      %mul3A_403 = arith.muli %select_n3A, %mul3A_402 : i32
      %add3A_404 = arith.constant 24576 : i32
      %add3A_405 = arith.addi %add3A_404, %mul3A_403 : i32
      %add3A_406 = arith.constant 640 : i32
      %add3A_407 = arith.addi %add3A_405, %add3A_406 : i32
      %mul3A_408 = arith.constant 16 : i32
      %mul3A_409 = arith.muli %select_n3A_315, %mul3A_408 : i32
      %add3A_410 = arith.addi %add3A_407, %mul3A_409 : i32
      %add3A_411 = arith.constant 50332288 : i32
      %add3A_412 = vector.broadcast %add3A_411 : i32 to vector<16xi32>
      %add3A_413 = arith.addi %get3A_322, %add3A_412 : vector<16xi32>
      %swap3A_414 = arith.index_cast %add3A_410 : i32 to index
      %swap3A_415 = tpu.vector_load %arg7[%swap3A_414] {strides = array<i32>} : memref<32768xi32, #tpu.memory_space<vmem>>, vector<16xi32>,
      %swap3A_416 = vector.shape_cast %swap3A_415 : vector<16xi32> to vector<16xi32>
      %swap3A_417 = vector.shape_cast %add3A_413 : vector<16xi32> to vector<16xi32>
      tpu.vector_store %arg7[%swap3A_414], %swap3A_417 {strides = array<i32>} : memref<32768xi32, #tpu.memory_space<vmem>>, vector<16xi32>,
      %mul3A_418 = arith.constant 1024 : i32
      %mul3A_419 = arith.muli %select_n3A, %mul3A_418 : i32
      %add3A_420 = arith.constant 24576 : i32
      %add3A_421 = arith.addi %add3A_420, %mul3A_419 : i32
      %add3A_422 = arith.constant 768 : i32
      %add3A_423 = arith.addi %add3A_421, %add3A_422 : i32
      %mul3A_424 = arith.constant 16 : i32
      %mul3A_425 = arith.muli %select_n3A_315, %mul3A_424 : i32
      %add3A_426 = arith.addi %add3A_423, %mul3A_425 : i32
      %add3A_427 = arith.constant 50332416 : i32
      %add3A_428 = vector.broadcast %add3A_427 : i32 to vector<16xi32>
      %add3A_429 = arith.addi %get3A_322, %add3A_428 : vector<16xi32>
      %swap3A_430 = arith.index_cast %add3A_426 : i32 to index
      %swap3A_431 = tpu.vector_load %arg7[%swap3A_430] {strides = array<i32>} : memref<32768xi32, #tpu.memory_space<vmem>>, vector<16xi32>,
      %swap3A_432 = vector.shape_cast %swap3A_431 : vector<16xi32> to vector<16xi32>
      %swap3A_433 = vector.shape_cast %add3A_429 : vector<16xi32> to vector<16xi32>
      tpu.vector_store %arg7[%swap3A_430], %swap3A_433 {strides = array<i32>} : memref<32768xi32, #tpu.memory_space<vmem>>, vector<16xi32>,
      %mul3A_434 = arith.constant 1024 : i32
      %mul3A_435 = arith.muli %select_n3A, %mul3A_434 : i32
      %add3A_436 = arith.constant 24576 : i32
      %add3A_437 = arith.addi %add3A_436, %mul3A_435 : i32
      %add3A_438 = arith.constant 896 : i32
      %add3A_439 = arith.addi %add3A_437, %add3A_438 : i32
      %mul3A_440 = arith.constant 16 : i32
      %mul3A_441 = arith.muli %select_n3A_315, %mul3A_440 : i32
      %add3A_442 = arith.addi %add3A_439, %mul3A_441 : i32
      %add3A_443 = arith.constant 50332544 : i32
      %add3A_444 = vector.broadcast %add3A_443 : i32 to vector<16xi32>
      %add3A_445 = arith.addi %get3A_322, %add3A_444 : vector<16xi32>
      %swap3A_446 = arith.index_cast %add3A_442 : i32 to index
      %swap3A_447 = tpu.vector_load %arg7[%swap3A_446] {strides = array<i32>} : memref<32768xi32, #tpu.memory_space<vmem>>, vector<16xi32>,
      %swap3A_448 = vector.shape_cast %swap3A_447 : vector<16xi32> to vector<16xi32>
      %swap3A_449 = vector.shape_cast %add3A_445 : vector<16xi32> to vector<16xi32>
      tpu.vector_store %arg7[%swap3A_446], %swap3A_449 {strides = array<i32>} : memref<32768xi32, #tpu.memory_space<vmem>>, vector<16xi32>,
    }
    %scan3A_165 = arith.constant 32 : i32
    %dma_start3A_166 = arith.constant 24576 : i32
    %dma_start3A_167 = tpu.memref_slice %arg8[%dma_start3A_166] : memref<32768xf32, #tpu.memory_space<vmem>> -> memref<4096xf32, #tpu.memory_space<vmem>>
    %dma_start3A_168 = arith.constant 24576 : i32
    %dma_start3A_169 = tpu.memref_slice %arg7[%dma_start3A_168] : memref<32768xi32, #tpu.memory_space<vmem>> -> memref<4096xi32, #tpu.memory_space<vmem>>
    %dma_start3A_170 = arith.constant 0 : i32
    %dma_start3A_171 = tpu.memref_slice %arg3[%dma_start3A_170] : memref<67108864xf32, #tpu.memory_space<hbm>> -> memref<67108864xf32, #tpu.memory_space<hbm>>
    tpu.enqueue_indirect_dma source(%dma_start3A_171 : memref<67108864xf32, #tpu.memory_space<hbm>>) target(%dma_start3A_167 : memref<4096xf32, #tpu.memory_space<vmem>>) offsets(%dma_start3A_169 : memref<4096xi32, #tpu.memory_space<vmem>>) semaphore(%arg16 : memref<!tpu.dma_semaphore, #tpu.memory_space<semaphore_mem>>)
    %dma_wait3A_172 = arith.constant 20480 : i32
    %dma_wait3A_173 = tpu.memref_slice %arg8[%dma_wait3A_172] : memref<32768xf32, #tpu.memory_space<vmem>> -> memref<4096xf32, #tpu.memory_space<vmem>>
    %dma_wait3A_174 = arith.constant 20480 : i32
    %dma_wait3A_175 = tpu.memref_slice %arg7[%dma_wait3A_174] : memref<32768xi32, #tpu.memory_space<vmem>> -> memref<4096xi32, #tpu.memory_space<vmem>>
    %dma_wait3A_176 = arith.constant 0 : i32
    %dma_wait3A_177 = tpu.memref_slice %arg3[%dma_wait3A_176] : memref<67108864xf32, #tpu.memory_space<hbm>> -> memref<67108864xf32, #tpu.memory_space<hbm>>
    tpu.wait_indirect_dma semaphore(%arg15 : memref<!tpu.dma_semaphore, #tpu.memory_space<semaphore_mem>>) src(%dma_wait3A_177 : memref<67108864xf32, #tpu.memory_space<hbm>>) dst(%dma_wait3A_173 : memref<4096xf32, #tpu.memory_space<vmem>>)
    %mul3A_178 = arith.constant 4 : i32
    %mul3A_179 = arith.muli %mul3A_178, %add3A : i32
    %add3A_180 = arith.constant 640 : i32
    %add3A_181 = arith.addi %add3A_180, %mul3A_179 : i32
    %mul3A_182 = arith.constant 1024 : i32
    %mul3A_183 = arith.muli %add3A_181, %mul3A_182 : i32
    %dma_start3A_184 = arith.constant 20480 : i32
    %dma_start3A_185 = tpu.memref_slice %arg8[%dma_start3A_184] : memref<32768xf32, #tpu.memory_space<vmem>> -> memref<4096xf32, #tpu.memory_space<vmem>>
    %dma_start3A_186 = tpu.memref_slice %arg4[%mul3A_183] : memref<1048576xf32, #tpu.memory_space<hbm>> -> memref<4096xf32, #tpu.memory_space<hbm>>
    %dma_start3A_187 = tpu.memref_slice %arg4[%mul3A_183] : memref<1048576xf32, #tpu.memory_space<hbm>> -> memref<4096xf32, #tpu.memory_space<hbm>>
    %dma_start3A_188 = arith.constant 20480 : i32
    %dma_start3A_189 = tpu.memref_slice %arg8[%dma_start3A_188] : memref<32768xf32, #tpu.memory_space<vmem>> -> memref<4096xf32, #tpu.memory_space<vmem>>
    tpu.enqueue_dma source(%dma_start3A_189 : memref<4096xf32, #tpu.memory_space<vmem>>) target(%dma_start3A_187 : memref<4096xf32, #tpu.memory_space<hbm>>) target_semaphore(%arg9 : memref<!tpu.dma_semaphore, #tpu.memory_space<semaphore_mem>>)
    %scan3A_190 = arith.constant 0 : i32
    %scan3A_191 = arith.constant 32 : i32
    %scan3A_192 = arith.addi %scan3A_190, %scan3A_191 : i32
    %scan3A_193 = arith.constant 1 : i32
    scf.for %scan3A_285 = %scan3A_190 to %scan3A_192 step %scan3A_193  : i32 {
      %jit3A = arith.constant 8 : i32
      %div3A = arith.divsi %scan3A_285, %jit3A : i32
      %sign3A = arith.constant 0 : i32
      %sign3A_286 = arith.cmpi sgt, %scan3A_285, %sign3A : i32
      %sign3A_287 = arith.extui %sign3A_286 : i1 to i32
      %sign3A_288 = arith.constant 0 : i32
      %sign3A_289 = arith.cmpi slt, %scan3A_285, %sign3A_288 : i32
      %sign3A_290 = arith.extui %sign3A_289 : i1 to i32
      %sign3A_291 = arith.subi %sign3A_287, %sign3A_290 : i32
      %sign3A_292 = arith.constant 0 : i32
      %sign3A_293 = arith.cmpi sgt, %jit3A, %sign3A_292 : i32
      %sign3A_294 = arith.extui %sign3A_293 : i1 to i32
      %sign3A_295 = arith.constant 0 : i32
      %sign3A_296 = arith.cmpi slt, %jit3A, %sign3A_295 : i32
      %sign3A_297 = arith.extui %sign3A_296 : i1 to i32
      %sign3A_298 = arith.subi %sign3A_294, %sign3A_297 : i32
      %ne3A = arith.cmpi ne, %sign3A_291, %sign3A_298 : i32
      %rem3A = arith.remsi %scan3A_285, %jit3A : i32
      %ne3A_299 = arith.constant 0 : i32
      %ne3A_300 = arith.cmpi ne, %rem3A, %ne3A_299 : i32
      %and3A = arith.andi %ne3A, %ne3A_300 : i1
      %sub3A = arith.constant 1 : i32
      %sub3A_301 = arith.subi %div3A, %sub3A : i32
      %select_n3A = arith.select %and3A, %sub3A_301, %div3A : i32
      %jit3A_302 = arith.constant 8 : i32
      %eq3A = arith.constant 0 : i32
      %eq3A_303 = arith.cmpi eq, %jit3A_302, %eq3A : i32
      %jit3A_304 = arith.constant 1 : i32
      %select_n3A_305 = arith.select %eq3A_303, %jit3A_304, %jit3A_302 : i32
      %rem3A_306 = arith.remsi %scan3A_285, %select_n3A_305 : i32
      %ne3A_307 = arith.constant 0 : i32
      %ne3A_308 = arith.cmpi ne, %rem3A_306, %ne3A_307 : i32
      %lt3A = arith.constant 0 : i32
      %lt3A_309 = arith.cmpi slt, %rem3A_306, %lt3A : i32
      %lt3A_310 = arith.constant 0 : i32
      %lt3A_311 = arith.cmpi slt, %select_n3A_305, %lt3A_310 : i32
      %ne3A_312 = arith.xori %lt3A_309, %lt3A_311 : i1
      %and3A_313 = arith.andi %ne3A_312, %ne3A_308 : i1
      %add3A_314 = arith.addi %rem3A_306, %select_n3A_305 : i32
      %select_n3A_315 = arith.select %and3A_313, %add3A_314, %rem3A_306 : i32
      %mul3A_316 = arith.constant 128 : i32
      %mul3A_317 = arith.muli %select_n3A, %mul3A_316 : i32
      %mul3A_318 = arith.constant 16 : i32
      %mul3A_319 = arith.muli %select_n3A_315, %mul3A_318 : i32
      %add3A_320 = arith.addi %mul3A_317, %mul3A_319 : i32
      %get3A = arith.index_cast %add3A_320 : i32 to index
      %get3A_321 = tpu.vector_load %arg6[%get3A] {strides = array<i32>} : memref<512xi32, #tpu.memory_space<vmem>>, vector<16xi32>,
      %get3A_322 = vector.shape_cast %get3A_321 : vector<16xi32> to vector<16xi32>
      %mul3A_323 = arith.constant 1024 : i32
      %mul3A_324 = arith.muli %select_n3A, %mul3A_323 : i32
      %add3A_325 = arith.constant 28672 : i32
      %add3A_326 = arith.addi %add3A_325, %mul3A_324 : i32
      %add3A_327 = arith.constant 0 : i32
      %add3A_328 = arith.addi %add3A_326, %add3A_327 : i32
      %mul3A_329 = arith.constant 16 : i32
      %mul3A_330 = arith.muli %select_n3A_315, %mul3A_329 : i32
      %add3A_331 = arith.addi %add3A_328, %mul3A_330 : i32
      %add3A_332 = arith.constant 58720256 : i32
      %add3A_333 = vector.broadcast %add3A_332 : i32 to vector<16xi32>
      %add3A_334 = arith.addi %get3A_322, %add3A_333 : vector<16xi32>
      %swap3A = arith.index_cast %add3A_331 : i32 to index
      %swap3A_335 = tpu.vector_load %arg7[%swap3A] {strides = array<i32>} : memref<32768xi32, #tpu.memory_space<vmem>>, vector<16xi32>,
      %swap3A_336 = vector.shape_cast %swap3A_335 : vector<16xi32> to vector<16xi32>
      %swap3A_337 = vector.shape_cast %add3A_334 : vector<16xi32> to vector<16xi32>
      tpu.vector_store %arg7[%swap3A], %swap3A_337 {strides = array<i32>} : memref<32768xi32, #tpu.memory_space<vmem>>, vector<16xi32>,
      %mul3A_338 = arith.constant 1024 : i32
      %mul3A_339 = arith.muli %select_n3A, %mul3A_338 : i32
      %add3A_340 = arith.constant 28672 : i32
      %add3A_341 = arith.addi %add3A_340, %mul3A_339 : i32
      %add3A_342 = arith.constant 128 : i32
      %add3A_343 = arith.addi %add3A_341, %add3A_342 : i32
      %mul3A_344 = arith.constant 16 : i32
      %mul3A_345 = arith.muli %select_n3A_315, %mul3A_344 : i32
      %add3A_346 = arith.addi %add3A_343, %mul3A_345 : i32
      %add3A_347 = arith.constant 58720384 : i32
      %add3A_348 = vector.broadcast %add3A_347 : i32 to vector<16xi32>
      %add3A_349 = arith.addi %get3A_322, %add3A_348 : vector<16xi32>
      %swap3A_350 = arith.index_cast %add3A_346 : i32 to index
      %swap3A_351 = tpu.vector_load %arg7[%swap3A_350] {strides = array<i32>} : memref<32768xi32, #tpu.memory_space<vmem>>, vector<16xi32>,
      %swap3A_352 = vector.shape_cast %swap3A_351 : vector<16xi32> to vector<16xi32>
      %swap3A_353 = vector.shape_cast %add3A_349 : vector<16xi32> to vector<16xi32>
      tpu.vector_store %arg7[%swap3A_350], %swap3A_353 {strides = array<i32>} : memref<32768xi32, #tpu.memory_space<vmem>>, vector<16xi32>,
      %mul3A_354 = arith.constant 1024 : i32
      %mul3A_355 = arith.muli %select_n3A, %mul3A_354 : i32
      %add3A_356 = arith.constant 28672 : i32
      %add3A_357 = arith.addi %add3A_356, %mul3A_355 : i32
      %add3A_358 = arith.constant 256 : i32
      %add3A_359 = arith.addi %add3A_357, %add3A_358 : i32
      %mul3A_360 = arith.constant 16 : i32
      %mul3A_361 = arith.muli %select_n3A_315, %mul3A_360 : i32
      %add3A_362 = arith.addi %add3A_359, %mul3A_361 : i32
      %add3A_363 = arith.constant 58720512 : i32
      %add3A_364 = vector.broadcast %add3A_363 : i32 to vector<16xi32>
      %add3A_365 = arith.addi %get3A_322, %add3A_364 : vector<16xi32>
      %swap3A_366 = arith.index_cast %add3A_362 : i32 to index
      %swap3A_367 = tpu.vector_load %arg7[%swap3A_366] {strides = array<i32>} : memref<32768xi32, #tpu.memory_space<vmem>>, vector<16xi32>,
      %swap3A_368 = vector.shape_cast %swap3A_367 : vector<16xi32> to vector<16xi32>
      %swap3A_369 = vector.shape_cast %add3A_365 : vector<16xi32> to vector<16xi32>
      tpu.vector_store %arg7[%swap3A_366], %swap3A_369 {strides = array<i32>} : memref<32768xi32, #tpu.memory_space<vmem>>, vector<16xi32>,
      %mul3A_370 = arith.constant 1024 : i32
      %mul3A_371 = arith.muli %select_n3A, %mul3A_370 : i32
      %add3A_372 = arith.constant 28672 : i32
      %add3A_373 = arith.addi %add3A_372, %mul3A_371 : i32
      %add3A_374 = arith.constant 384 : i32
      %add3A_375 = arith.addi %add3A_373, %add3A_374 : i32
      %mul3A_376 = arith.constant 16 : i32
      %mul3A_377 = arith.muli %select_n3A_315, %mul3A_376 : i32
      %add3A_378 = arith.addi %add3A_375, %mul3A_377 : i32
      %add3A_379 = arith.constant 58720640 : i32
      %add3A_380 = vector.broadcast %add3A_379 : i32 to vector<16xi32>
      %add3A_381 = arith.addi %get3A_322, %add3A_380 : vector<16xi32>
      %swap3A_382 = arith.index_cast %add3A_378 : i32 to index
      %swap3A_383 = tpu.vector_load %arg7[%swap3A_382] {strides = array<i32>} : memref<32768xi32, #tpu.memory_space<vmem>>, vector<16xi32>,
      %swap3A_384 = vector.shape_cast %swap3A_383 : vector<16xi32> to vector<16xi32>
      %swap3A_385 = vector.shape_cast %add3A_381 : vector<16xi32> to vector<16xi32>
      tpu.vector_store %arg7[%swap3A_382], %swap3A_385 {strides = array<i32>} : memref<32768xi32, #tpu.memory_space<vmem>>, vector<16xi32>,
      %mul3A_386 = arith.constant 1024 : i32
      %mul3A_387 = arith.muli %select_n3A, %mul3A_386 : i32
      %add3A_388 = arith.constant 28672 : i32
      %add3A_389 = arith.addi %add3A_388, %mul3A_387 : i32
      %add3A_390 = arith.constant 512 : i32
      %add3A_391 = arith.addi %add3A_389, %add3A_390 : i32
      %mul3A_392 = arith.constant 16 : i32
      %mul3A_393 = arith.muli %select_n3A_315, %mul3A_392 : i32
      %add3A_394 = arith.addi %add3A_391, %mul3A_393 : i32
      %add3A_395 = arith.constant 58720768 : i32
      %add3A_396 = vector.broadcast %add3A_395 : i32 to vector<16xi32>
      %add3A_397 = arith.addi %get3A_322, %add3A_396 : vector<16xi32>
      %swap3A_398 = arith.index_cast %add3A_394 : i32 to index
      %swap3A_399 = tpu.vector_load %arg7[%swap3A_398] {strides = array<i32>} : memref<32768xi32, #tpu.memory_space<vmem>>, vector<16xi32>,
      %swap3A_400 = vector.shape_cast %swap3A_399 : vector<16xi32> to vector<16xi32>
      %swap3A_401 = vector.shape_cast %add3A_397 : vector<16xi32> to vector<16xi32>
      tpu.vector_store %arg7[%swap3A_398], %swap3A_401 {strides = array<i32>} : memref<32768xi32, #tpu.memory_space<vmem>>, vector<16xi32>,
      %mul3A_402 = arith.constant 1024 : i32
      %mul3A_403 = arith.muli %select_n3A, %mul3A_402 : i32
      %add3A_404 = arith.constant 28672 : i32
      %add3A_405 = arith.addi %add3A_404, %mul3A_403 : i32
      %add3A_406 = arith.constant 640 : i32
      %add3A_407 = arith.addi %add3A_405, %add3A_406 : i32
      %mul3A_408 = arith.constant 16 : i32
      %mul3A_409 = arith.muli %select_n3A_315, %mul3A_408 : i32
      %add3A_410 = arith.addi %add3A_407, %mul3A_409 : i32
      %add3A_411 = arith.constant 58720896 : i32
      %add3A_412 = vector.broadcast %add3A_411 : i32 to vector<16xi32>
      %add3A_413 = arith.addi %get3A_322, %add3A_412 : vector<16xi32>
      %swap3A_414 = arith.index_cast %add3A_410 : i32 to index
      %swap3A_415 = tpu.vector_load %arg7[%swap3A_414] {strides = array<i32>} : memref<32768xi32, #tpu.memory_space<vmem>>, vector<16xi32>,
      %swap3A_416 = vector.shape_cast %swap3A_415 : vector<16xi32> to vector<16xi32>
      %swap3A_417 = vector.shape_cast %add3A_413 : vector<16xi32> to vector<16xi32>
      tpu.vector_store %arg7[%swap3A_414], %swap3A_417 {strides = array<i32>} : memref<32768xi32, #tpu.memory_space<vmem>>, vector<16xi32>,
      %mul3A_418 = arith.constant 1024 : i32
      %mul3A_419 = arith.muli %select_n3A, %mul3A_418 : i32
      %add3A_420 = arith.constant 28672 : i32
      %add3A_421 = arith.addi %add3A_420, %mul3A_419 : i32
      %add3A_422 = arith.constant 768 : i32
      %add3A_423 = arith.addi %add3A_421, %add3A_422 : i32
      %mul3A_424 = arith.constant 16 : i32
      %mul3A_425 = arith.muli %select_n3A_315, %mul3A_424 : i32
      %add3A_426 = arith.addi %add3A_423, %mul3A_425 : i32
      %add3A_427 = arith.constant 58721024 : i32
      %add3A_428 = vector.broadcast %add3A_427 : i32 to vector<16xi32>
      %add3A_429 = arith.addi %get3A_322, %add3A_428 : vector<16xi32>
      %swap3A_430 = arith.index_cast %add3A_426 : i32 to index
      %swap3A_431 = tpu.vector_load %arg7[%swap3A_430] {strides = array<i32>} : memref<32768xi32, #tpu.memory_space<vmem>>, vector<16xi32>,
      %swap3A_432 = vector.shape_cast %swap3A_431 : vector<16xi32> to vector<16xi32>
      %swap3A_433 = vector.shape_cast %add3A_429 : vector<16xi32> to vector<16xi32>
      tpu.vector_store %arg7[%swap3A_430], %swap3A_433 {strides = array<i32>} : memref<32768xi32, #tpu.memory_space<vmem>>, vector<16xi32>,
      %mul3A_434 = arith.constant 1024 : i32
      %mul3A_435 = arith.muli %select_n3A, %mul3A_434 : i32
      %add3A_436 = arith.constant 28672 : i32
      %add3A_437 = arith.addi %add3A_436, %mul3A_435 : i32
      %add3A_438 = arith.constant 896 : i32
      %add3A_439 = arith.addi %add3A_437, %add3A_438 : i32
      %mul3A_440 = arith.constant 16 : i32
      %mul3A_441 = arith.muli %select_n3A_315, %mul3A_440 : i32
      %add3A_442 = arith.addi %add3A_439, %mul3A_441 : i32
      %add3A_443 = arith.constant 58721152 : i32
      %add3A_444 = vector.broadcast %add3A_443 : i32 to vector<16xi32>
      %add3A_445 = arith.addi %get3A_322, %add3A_444 : vector<16xi32>
      %swap3A_446 = arith.index_cast %add3A_442 : i32 to index
      %swap3A_447 = tpu.vector_load %arg7[%swap3A_446] {strides = array<i32>} : memref<32768xi32, #tpu.memory_space<vmem>>, vector<16xi32>,
      %swap3A_448 = vector.shape_cast %swap3A_447 : vector<16xi32> to vector<16xi32>
      %swap3A_449 = vector.shape_cast %add3A_445 : vector<16xi32> to vector<16xi32>
      tpu.vector_store %arg7[%swap3A_446], %swap3A_449 {strides = array<i32>} : memref<32768xi32, #tpu.memory_space<vmem>>, vector<16xi32>,
    }
    %scan3A_194 = arith.constant 32 : i32
    %dma_start3A_195 = arith.constant 28672 : i32
    %dma_start3A_196 = tpu.memref_slice %arg8[%dma_start3A_195] : memref<32768xf32, #tpu.memory_space<vmem>> -> memref<4096xf32, #tpu.memory_space<vmem>>
    %dma_start3A_197 = arith.constant 28672 : i32
    %dma_start3A_198 = tpu.memref_slice %arg7[%dma_start3A_197] : memref<32768xi32, #tpu.memory_space<vmem>> -> memref<4096xi32, #tpu.memory_space<vmem>>
    %dma_start3A_199 = arith.constant 0 : i32
    %dma_start3A_200 = tpu.memref_slice %arg3[%dma_start3A_199] : memref<67108864xf32, #tpu.memory_space<hbm>> -> memref<67108864xf32, #tpu.memory_space<hbm>>
    tpu.enqueue_indirect_dma source(%dma_start3A_200 : memref<67108864xf32, #tpu.memory_space<hbm>>) target(%dma_start3A_196 : memref<4096xf32, #tpu.memory_space<vmem>>) offsets(%dma_start3A_198 : memref<4096xi32, #tpu.memory_space<vmem>>) semaphore(%arg17 : memref<!tpu.dma_semaphore, #tpu.memory_space<semaphore_mem>>)
    %dma_wait3A_201 = arith.constant 24576 : i32
    %dma_wait3A_202 = tpu.memref_slice %arg8[%dma_wait3A_201] : memref<32768xf32, #tpu.memory_space<vmem>> -> memref<4096xf32, #tpu.memory_space<vmem>>
    %dma_wait3A_203 = arith.constant 24576 : i32
    %dma_wait3A_204 = tpu.memref_slice %arg7[%dma_wait3A_203] : memref<32768xi32, #tpu.memory_space<vmem>> -> memref<4096xi32, #tpu.memory_space<vmem>>
    %dma_wait3A_205 = arith.constant 0 : i32
    %dma_wait3A_206 = tpu.memref_slice %arg3[%dma_wait3A_205] : memref<67108864xf32, #tpu.memory_space<hbm>> -> memref<67108864xf32, #tpu.memory_space<hbm>>
    tpu.wait_indirect_dma semaphore(%arg16 : memref<!tpu.dma_semaphore, #tpu.memory_space<semaphore_mem>>) src(%dma_wait3A_206 : memref<67108864xf32, #tpu.memory_space<hbm>>) dst(%dma_wait3A_202 : memref<4096xf32, #tpu.memory_space<vmem>>)
    %mul3A_207 = arith.constant 4 : i32
    %mul3A_208 = arith.muli %mul3A_207, %add3A : i32
    %add3A_209 = arith.constant 768 : i32
    %add3A_210 = arith.addi %add3A_209, %mul3A_208 : i32
    %mul3A_211 = arith.constant 1024 : i32
    %mul3A_212 = arith.muli %add3A_210, %mul3A_211 : i32
    %dma_start3A_213 = arith.constant 24576 : i32
    %dma_start3A_214 = tpu.memref_slice %arg8[%dma_start3A_213] : memref<32768xf32, #tpu.memory_space<vmem>> -> memref<4096xf32, #tpu.memory_space<vmem>>
    %dma_start3A_215 = tpu.memref_slice %arg4[%mul3A_212] : memref<1048576xf32, #tpu.memory_space<hbm>> -> memref<4096xf32, #tpu.memory_space<hbm>>
    %dma_start3A_216 = tpu.memref_slice %arg4[%mul3A_212] : memref<1048576xf32, #tpu.memory_space<hbm>> -> memref<4096xf32, #tpu.memory_space<hbm>>
    %dma_start3A_217 = arith.constant 24576 : i32
    %dma_start3A_218 = tpu.memref_slice %arg8[%dma_start3A_217] : memref<32768xf32, #tpu.memory_space<vmem>> -> memref<4096xf32, #tpu.memory_space<vmem>>
    tpu.enqueue_dma source(%dma_start3A_218 : memref<4096xf32, #tpu.memory_space<vmem>>) target(%dma_start3A_216 : memref<4096xf32, #tpu.memory_space<hbm>>) target_semaphore(%arg9 : memref<!tpu.dma_semaphore, #tpu.memory_space<semaphore_mem>>)
    %dma_wait3A_219 = arith.constant 28672 : i32
    %dma_wait3A_220 = tpu.memref_slice %arg8[%dma_wait3A_219] : memref<32768xf32, #tpu.memory_space<vmem>> -> memref<4096xf32, #tpu.memory_space<vmem>>
    %dma_wait3A_221 = arith.constant 28672 : i32
    %dma_wait3A_222 = tpu.memref_slice %arg7[%dma_wait3A_221] : memref<32768xi32, #tpu.memory_space<vmem>> -> memref<4096xi32, #tpu.memory_space<vmem>>
    %dma_wait3A_223 = arith.constant 0 : i32
    %dma_wait3A_224 = tpu.memref_slice %arg3[%dma_wait3A_223] : memref<67108864xf32, #tpu.memory_space<hbm>> -> memref<67108864xf32, #tpu.memory_space<hbm>>
    tpu.wait_indirect_dma semaphore(%arg17 : memref<!tpu.dma_semaphore, #tpu.memory_space<semaphore_mem>>) src(%dma_wait3A_224 : memref<67108864xf32, #tpu.memory_space<hbm>>) dst(%dma_wait3A_220 : memref<4096xf32, #tpu.memory_space<vmem>>)
    %mul3A_225 = arith.constant 4 : i32
    %mul3A_226 = arith.muli %mul3A_225, %add3A : i32
    %add3A_227 = arith.constant 896 : i32
    %add3A_228 = arith.addi %add3A_227, %mul3A_226 : i32
    %mul3A_229 = arith.constant 1024 : i32
    %mul3A_230 = arith.muli %add3A_228, %mul3A_229 : i32
    %dma_start3A_231 = arith.constant 28672 : i32
    %dma_start3A_232 = tpu.memref_slice %arg8[%dma_start3A_231] : memref<32768xf32, #tpu.memory_space<vmem>> -> memref<4096xf32, #tpu.memory_space<vmem>>
    %dma_start3A_233 = tpu.memref_slice %arg4[%mul3A_230] : memref<1048576xf32, #tpu.memory_space<hbm>> -> memref<4096xf32, #tpu.memory_space<hbm>>
    %dma_start3A_234 = tpu.memref_slice %arg4[%mul3A_230] : memref<1048576xf32, #tpu.memory_space<hbm>> -> memref<4096xf32, #tpu.memory_space<hbm>>
    %dma_start3A_235 = arith.constant 28672 : i32
    %dma_start3A_236 = tpu.memref_slice %arg8[%dma_start3A_235] : memref<32768xf32, #tpu.memory_space<vmem>> -> memref<4096xf32, #tpu.memory_space<vmem>>
    tpu.enqueue_dma source(%dma_start3A_236 : memref<4096xf32, #tpu.memory_space<vmem>>) target(%dma_start3A_234 : memref<4096xf32, #tpu.memory_space<hbm>>) target_semaphore(%arg9 : memref<!tpu.dma_semaphore, #tpu.memory_space<semaphore_mem>>)
    %dma_wait3A_237 = arith.constant 0 : i32
    %dma_wait3A_238 = tpu.memref_slice %arg8[%dma_wait3A_237] : memref<32768xf32, #tpu.memory_space<vmem>> -> memref<4096xf32, #tpu.memory_space<vmem>>
    %dma_wait3A_239 = tpu.memref_slice %arg4[%mul3A_38] : memref<1048576xf32, #tpu.memory_space<hbm>> -> memref<4096xf32, #tpu.memory_space<hbm>>
    %dma_wait3A_240 = tpu.memref_slice %arg4[%mul3A_38] : memref<1048576xf32, #tpu.memory_space<hbm>> -> memref<4096xf32, #tpu.memory_space<hbm>>
    %dma_wait3A_241 = arith.constant 0 : i32
    %dma_wait3A_242 = tpu.memref_slice %arg8[%dma_wait3A_241] : memref<32768xf32, #tpu.memory_space<vmem>> -> memref<4096xf32, #tpu.memory_space<vmem>>
    tpu.wait_dma2 semaphore(%arg9 : memref<!tpu.dma_semaphore, #tpu.memory_space<semaphore_mem>>) src(%dma_wait3A_242 : memref<4096xf32, #tpu.memory_space<vmem>>) dst(%dma_wait3A_240 : memref<4096xf32, #tpu.memory_space<hbm>>)
    %dma_wait3A_243 = arith.constant 4096 : i32
    %dma_wait3A_244 = tpu.memref_slice %arg8[%dma_wait3A_243] : memref<32768xf32, #tpu.memory_space<vmem>> -> memref<4096xf32, #tpu.memory_space<vmem>>
    %dma_wait3A_245 = tpu.memref_slice %arg4[%mul3A_67] : memref<1048576xf32, #tpu.memory_space<hbm>> -> memref<4096xf32, #tpu.memory_space<hbm>>
    %dma_wait3A_246 = tpu.memref_slice %arg4[%mul3A_67] : memref<1048576xf32, #tpu.memory_space<hbm>> -> memref<4096xf32, #tpu.memory_space<hbm>>
    %dma_wait3A_247 = arith.constant 4096 : i32
    %dma_wait3A_248 = tpu.memref_slice %arg8[%dma_wait3A_247] : memref<32768xf32, #tpu.memory_space<vmem>> -> memref<4096xf32, #tpu.memory_space<vmem>>
    tpu.wait_dma2 semaphore(%arg9 : memref<!tpu.dma_semaphore, #tpu.memory_space<semaphore_mem>>) src(%dma_wait3A_248 : memref<4096xf32, #tpu.memory_space<vmem>>) dst(%dma_wait3A_246 : memref<4096xf32, #tpu.memory_space<hbm>>)
    %dma_wait3A_249 = arith.constant 8192 : i32
    %dma_wait3A_250 = tpu.memref_slice %arg8[%dma_wait3A_249] : memref<32768xf32, #tpu.memory_space<vmem>> -> memref<4096xf32, #tpu.memory_space<vmem>>
    %dma_wait3A_251 = tpu.memref_slice %arg4[%mul3A_96] : memref<1048576xf32, #tpu.memory_space<hbm>> -> memref<4096xf32, #tpu.memory_space<hbm>>
    %dma_wait3A_252 = tpu.memref_slice %arg4[%mul3A_96] : memref<1048576xf32, #tpu.memory_space<hbm>> -> memref<4096xf32, #tpu.memory_space<hbm>>
    %dma_wait3A_253 = arith.constant 8192 : i32
    %dma_wait3A_254 = tpu.memref_slice %arg8[%dma_wait3A_253] : memref<32768xf32, #tpu.memory_space<vmem>> -> memref<4096xf32, #tpu.memory_space<vmem>>
    tpu.wait_dma2 semaphore(%arg9 : memref<!tpu.dma_semaphore, #tpu.memory_space<semaphore_mem>>) src(%dma_wait3A_254 : memref<4096xf32, #tpu.memory_space<vmem>>) dst(%dma_wait3A_252 : memref<4096xf32, #tpu.memory_space<hbm>>)
    %dma_wait3A_255 = arith.constant 12288 : i32
    %dma_wait3A_256 = tpu.memref_slice %arg8[%dma_wait3A_255] : memref<32768xf32, #tpu.memory_space<vmem>> -> memref<4096xf32, #tpu.memory_space<vmem>>
    %dma_wait3A_257 = tpu.memref_slice %arg4[%mul3A_125] : memref<1048576xf32, #tpu.memory_space<hbm>> -> memref<4096xf32, #tpu.memory_space<hbm>>
    %dma_wait3A_258 = tpu.memref_slice %arg4[%mul3A_125] : memref<1048576xf32, #tpu.memory_space<hbm>> -> memref<4096xf32, #tpu.memory_space<hbm>>
    %dma_wait3A_259 = arith.constant 12288 : i32
    %dma_wait3A_260 = tpu.memref_slice %arg8[%dma_wait3A_259] : memref<32768xf32, #tpu.memory_space<vmem>> -> memref<4096xf32, #tpu.memory_space<vmem>>
    tpu.wait_dma2 semaphore(%arg9 : memref<!tpu.dma_semaphore, #tpu.memory_space<semaphore_mem>>) src(%dma_wait3A_260 : memref<4096xf32, #tpu.memory_space<vmem>>) dst(%dma_wait3A_258 : memref<4096xf32, #tpu.memory_space<hbm>>)
    %dma_wait3A_261 = arith.constant 16384 : i32
    %dma_wait3A_262 = tpu.memref_slice %arg8[%dma_wait3A_261] : memref<32768xf32, #tpu.memory_space<vmem>> -> memref<4096xf32, #tpu.memory_space<vmem>>
    %dma_wait3A_263 = tpu.memref_slice %arg4[%mul3A_154] : memref<1048576xf32, #tpu.memory_space<hbm>> -> memref<4096xf32, #tpu.memory_space<hbm>>
    %dma_wait3A_264 = tpu.memref_slice %arg4[%mul3A_154] : memref<1048576xf32, #tpu.memory_space<hbm>> -> memref<4096xf32, #tpu.memory_space<hbm>>
    %dma_wait3A_265 = arith.constant 16384 : i32
    %dma_wait3A_266 = tpu.memref_slice %arg8[%dma_wait3A_265] : memref<32768xf32, #tpu.memory_space<vmem>> -> memref<4096xf32, #tpu.memory_space<vmem>>
    tpu.wait_dma2 semaphore(%arg9 : memref<!tpu.dma_semaphore, #tpu.memory_space<semaphore_mem>>) src(%dma_wait3A_266 : memref<4096xf32, #tpu.memory_space<vmem>>) dst(%dma_wait3A_264 : memref<4096xf32, #tpu.memory_space<hbm>>)
    %dma_wait3A_267 = arith.constant 20480 : i32
    %dma_wait3A_268 = tpu.memref_slice %arg8[%dma_wait3A_267] : memref<32768xf32, #tpu.memory_space<vmem>> -> memref<4096xf32, #tpu.memory_space<vmem>>
    %dma_wait3A_269 = tpu.memref_slice %arg4[%mul3A_183] : memref<1048576xf32, #tpu.memory_space<hbm>> -> memref<4096xf32, #tpu.memory_space<hbm>>
    %dma_wait3A_270 = tpu.memref_slice %arg4[%mul3A_183] : memref<1048576xf32, #tpu.memory_space<hbm>> -> memref<4096xf32, #tpu.memory_space<hbm>>
    %dma_wait3A_271 = arith.constant 20480 : i32
    %dma_wait3A_272 = tpu.memref_slice %arg8[%dma_wait3A_271] : memref<32768xf32, #tpu.memory_space<vmem>> -> memref<4096xf32, #tpu.memory_space<vmem>>
    tpu.wait_dma2 semaphore(%arg9 : memref<!tpu.dma_semaphore, #tpu.memory_space<semaphore_mem>>) src(%dma_wait3A_272 : memref<4096xf32, #tpu.memory_space<vmem>>) dst(%dma_wait3A_270 : memref<4096xf32, #tpu.memory_space<hbm>>)
    %dma_wait3A_273 = arith.constant 24576 : i32
    %dma_wait3A_274 = tpu.memref_slice %arg8[%dma_wait3A_273] : memref<32768xf32, #tpu.memory_space<vmem>> -> memref<4096xf32, #tpu.memory_space<vmem>>
    %dma_wait3A_275 = tpu.memref_slice %arg4[%mul3A_212] : memref<1048576xf32, #tpu.memory_space<hbm>> -> memref<4096xf32, #tpu.memory_space<hbm>>
    %dma_wait3A_276 = tpu.memref_slice %arg4[%mul3A_212] : memref<1048576xf32, #tpu.memory_space<hbm>> -> memref<4096xf32, #tpu.memory_space<hbm>>
    %dma_wait3A_277 = arith.constant 24576 : i32
    %dma_wait3A_278 = tpu.memref_slice %arg8[%dma_wait3A_277] : memref<32768xf32, #tpu.memory_space<vmem>> -> memref<4096xf32, #tpu.memory_space<vmem>>
    tpu.wait_dma2 semaphore(%arg9 : memref<!tpu.dma_semaphore, #tpu.memory_space<semaphore_mem>>) src(%dma_wait3A_278 : memref<4096xf32, #tpu.memory_space<vmem>>) dst(%dma_wait3A_276 : memref<4096xf32, #tpu.memory_space<hbm>>)
    %dma_wait3A_279 = arith.constant 28672 : i32
    %dma_wait3A_280 = tpu.memref_slice %arg8[%dma_wait3A_279] : memref<32768xf32, #tpu.memory_space<vmem>> -> memref<4096xf32, #tpu.memory_space<vmem>>
    %dma_wait3A_281 = tpu.memref_slice %arg4[%mul3A_230] : memref<1048576xf32, #tpu.memory_space<hbm>> -> memref<4096xf32, #tpu.memory_space<hbm>>
    %dma_wait3A_282 = tpu.memref_slice %arg4[%mul3A_230] : memref<1048576xf32, #tpu.memory_space<hbm>> -> memref<4096xf32, #tpu.memory_space<hbm>>
    %dma_wait3A_283 = arith.constant 28672 : i32
    %dma_wait3A_284 = tpu.memref_slice %arg8[%dma_wait3A_283] : memref<32768xf32, #tpu.memory_space<vmem>> -> memref<4096xf32, #tpu.memory_space<vmem>>
    tpu.wait_dma2 semaphore(%arg9 : memref<!tpu.dma_semaphore, #tpu.memory_space<semaphore_mem>>) src(%dma_wait3A_284 : memref<4096xf32, #tpu.memory_space<vmem>>) dst(%dma_wait3A_282 : memref<4096xf32, #tpu.memory_space<hbm>>)
    return
  }
}

</mosaic_0001>

<sc_bundles>
// kernel: kernel.3.cloned.1.call-start
scs
__scs_entry_jumppad:
0x0: {  	(pc) =	sbr.rel $0x88, $3  }
0x1: {  	(tag) =	ssettag $0x0;
	lr =	simm.s32 $0x1  }
0x2: {  	[smem:$0x3F9F] =	sst lr;
	_ =	strace $0xD0000000  }
0x3: {  	_ = 	snop  }
0x4: {  	_ = 	snop  }
0x5: {  	_ = 	snop  }
0x6: {  	_ = 	snop  }
0x7: {  	_ = 	snop  }
__scs_overlays_trampoline_lowered:
0x8: {  	[smem:$0x3FAE] =	sst s0  }
0x9: {  	[smem:$0x3FAF] =	sst s1  }
0xa: {  	[smem:$0x3FB0] =	sst s2  }
0xb: {  	[smem:$0x3FB1] =	sst s3  }
0xc: {  	[smem:$0x3FB2] =	sst s4  }
0xd: {  	[smem:$0x3FB3] =	sst s5  }
0xe: {  	[smem:$0x3FB4] =	sst s6  }
0xf: {  	[smem:$0x3FB5] =	sst s7  }
0x10: {  	[smem:$0x3FB6] =	sst s8  }
0x11: {  	[smem:$0x3FB7] =	sst s9;
	s0 =	simm.s32 @!p0 $0x0  }
0x12: {  	s1 =	sld [smem:$0x3F9D];
	s0 =	simm.s32 @p0 $0x1  }
0x13: {  	[smem:$0x3FB8] =	sst s0;
	s0 =	simm.s32 @!p1 $0x0  }
0x14: {  	s2 =	sld [smem:$0x3F9C];
	s0 =	simm.s32 @p1 $0x1  }
0x15: {  	[smem:$0x3FB9] =	sst s0;
	s0 =	simm.s32 @!p2 $0x0  }
0x16: {  	s3 =	sld [smem:$0x3FDB];
	s0 =	simm.s32 @p2 $0x1  }
0x17: {  	s4 =	simm.s32 $0x1BF5;
	[smem:$0x3FBB] =	sst s0  }
0x18: {  	s0 =	sld [smem:$0x3F9E];
	_ =	swait.ge [sflag:s4], $0x0  }
0x19: {  	s7 =	sld [smem:$0x3F9F]  }
0x1a: {  	s8 =	sadd.s32 $0xFFFFE003, lr  }
0x1b: {  	s9 =	sadd.s32 $0xFFFFFEF7, lr;
	s5 =	simm.s32 $0xFFFFFFFF;
	p2 =	slt.u32 s8, $0xFFFFF086  }
0x1c: {  	p1 =	slt.u32 s9, $0xF7A;
	s5 =	simm.s32 @!p2 $0x0  }
0x1d: {  	s5 =	simm.s32 @p1 $0x1;
	p0 =	seq.s32 s7, s2  }
0x1e: {  	s7 =	smul.u32 @!p0 $0xF7A, s2;
	p2 =	seq.s32 @!p0 s5, $0x0  }
0x1f: {  	s9 =	smul.u32 $0xF7A, s1;
	s8 =	simm.s32 @!p0 $0x1BF5;
	p2 =	por !p2, p0  }
0x20: {  	[sflag:s8] =	ssyncset.s32 @!p0 $0xFFFFF086;
	s6 =	sadd.s32 @!p0 s3, s7;
	s7 =	simm.s32 @!p0 $0x108  }
0x21: {  	s3 =	sadd.s32 s3, s9;
	s6 =	sadd.s32 @!p0 $0x88, s6;
	s7 =	simm.s32 @p2 $0x1082  }
0x22: {  	[simem:s7], [sflag:s8] =	dma.local @!p0 [hbm:s6], $0xF7A  }
0x23: {  	s9 =	sor.u32 $0xD0000000, s2;
	s6 =	simm.s32 $0x108;
	_ =	swait.ge @!p0 [sflag:s8], $0x0  }
0x24: {  	s3 =	sadd.s32 $0x88, s3;
	s6 =	simm.s32 @!p1 $0x1082;
	[sflag:s4] =	ssyncset.s32 $0xFFFFF086  }
0x25: {  	[simem:s6], [sflag:s4] =	dma.local [hbm:s3], $0xF7A  }
0x26: {  	[smem:$0x3F9F] =	sst s1;
	(tag) =	ssettag s2;
	_ =	strace s9  }
0x27: {  	s1 =	sld [smem:$0x3FAF]  }
0x28: {  	s2 =	sld [smem:$0x3FB0]  }
0x29: {  	s4 =	sld [smem:$0x3FB2]  }
0x2a: {  	p0 =	seq.s32 s5, $0x0;
	s5 =	sld [smem:$0x3FB3]  }
0x2b: {  	s6 =	sld [smem:$0x3FB4]  }
0x2c: {  	s7 =	sld [smem:$0x3FB5]  }
0x2d: {  	s3 =	simm.s32 $0x108;
	s8 =	sld [smem:$0x3FB6]  }
0x2e: {  	s3 =	simm.s32 @!p0 $0x1082;
	s9 =	sld [smem:$0x3FB7]  }
0x2f: {  	lr =	sadd.s32 s0, s3;
	s0 =	sld [smem:$0x3FAE]  }
0x30: {  	s3 =	sld [smem:$0x3FB1]  }
0x31: {  	[smem:$0x3FBA] =	sst s10  }
0x32: {  	s10 =	sld [smem:$0x3FB8];
	_ =	sdelay $0x3  }
0x33: {  	p0 =	seq.s32 s10, $0x1;
	s10 =	sld [smem:$0x3FBA];
	_ =	sdelay $0x3  }
0x34: {  	[smem:$0x3FBA] =	sst s10  }
0x35: {  	s10 =	sld [smem:$0x3FB9];
	_ =	sdelay $0x3  }
0x36: {  	p1 =	seq.s32 s10, $0x1;
	s10 =	sld [smem:$0x3FBA];
	_ =	sdelay $0x3  }
0x37: {  	[smem:$0x3FBA] =	sst s10  }
0x38: {  	s10 =	sld [smem:$0x3FBB]  }
0x39: {  	_ = 	snop;
	(pc) =	sbr.ind lr, $3  }
0x3a: {  	_ = 	snop  }
0x3b: {  	_ = 	snop  }
0x3c: {  	p2 =	seq.s32 s10, $0x1;
	s10 =	sld [smem:$0x3FBA]  }
0x3d: {  	_ =	shalt  }
0x3e: {  	_ =	shalt  }
0x3f: {  	_ =	shalt  }
0x40: {  	_ =	shalt  }
0x41: {  	_ =	shalt  }
0x42: {  	_ =	shalt  }
0x43: {  	_ =	shalt  }
0x44: {  	_ =	shalt  }
0x45: {  	_ =	shalt  }
0x46: {  	_ =	shalt  }
0x47: {  	_ =	shalt  }
0x48: {  	_ =	shalt  }
0x49: {  	_ =	shalt  }
0x4a: {  	_ =	shalt  }
0x4b: {  	_ =	shalt  }
0x4c: {  	_ =	shalt  }
0x4d: {  	_ =	shalt  }
0x4e: {  	_ =	shalt  }
0x4f: {  	_ =	shalt  }
0x50: {  	_ =	shalt  }
0x51: {  	_ =	shalt  }
0x52: {  	_ =	shalt  }
0x53: {  	_ =	shalt  }
0x54: {  	_ =	shalt  }
0x55: {  	_ =	shalt  }
0x56: {  	_ =	shalt  }
0x57: {  	_ =	shalt  }
0x58: {  	_ =	shalt  }
0x59: {  	_ =	shalt  }
0x5a: {  	_ =	shalt  }
0x5b: {  	_ =	shalt  }
0x5c: {  	_ =	shalt  }
0x5d: {  	_ =	shalt  }
0x5e: {  	_ =	shalt  }
0x5f: {  	_ =	shalt  }
0x60: {  	_ =	shalt  }
0x61: {  	_ =	shalt  }
0x62: {  	_ =	shalt  }
0x63: {  	_ =	shalt  }
0x64: {  	_ =	shalt  }
0x65: {  	_ =	shalt  }
0x66: {  	_ =	shalt  }
0x67: {  	_ =	shalt  }
0x68: {  	_ =	shalt  }
0x69: {  	_ =	shalt  }
0x6a: {  	_ =	shalt  }
0x6b: {  	_ =	shalt  }
0x6c: {  	_ =	shalt  }
0x6d: {  	_ =	shalt  }
0x6e: {  	_ =	shalt  }
0x6f: {  	_ =	shalt  }
0x70: {  	_ =	shalt  }
0x71: {  	_ =	shalt  }
0x72: {  	_ =	shalt  }
0x73: {  	_ =	shalt  }
0x74: {  	_ =	shalt  }
0x75: {  	_ =	shalt  }
0x76: {  	_ =	shalt  }
0x77: {  	_ =	shalt  }
0x78: {  	_ =	shalt  }
0x79: {  	_ =	shalt  }
0x7a: {  	_ =	shalt  }
0x7b: {  	_ =	shalt  }
0x7c: {  	_ =	shalt  }
0x7d: {  	_ =	shalt  }
0x7e: {  	_ =	shalt  }
0x7f: {  	_ =	shalt  }
0x80: {  	_ =	shalt  }
0x81: {  	_ =	shalt  }
0x82: {  	_ =	shalt  }
0x83: {  	_ =	shalt  }
0x84: {  	_ =	shalt  }
0x85: {  	_ =	shalt  }
0x86: {  	_ =	shalt  }
0x87: {  	_ =	shalt  }
.Lfunc_end0:
.L_simem_size_0:
called_computation_lowered:
.L_overlay_start_0:
0x88: {  	s2 =	sld [smem:$0x3FD9]  }
0x89: {  	s3 =	sld [smem:$0x3FFE];
	_ =	sdelay $0x1  }
0x8a: {  	s1 =	srdreg.scid  }
0x8b: {  	s0 =	sand.u32 $0x1, s1  }
0x8c: {  	s17 =	sshll.u32 s0, $0xA;
	s2 =	sadd.s32 s3, s2  }
0x8d: {  	s2 =	sadd.s32 s2, s17  }
0x8e: {  	[smem:$0x3FC6] =	sst s2  }
0x8f: {  	_ = 	snop  }
0x90: {  	s2 =	sld [smem:$0x3FC8]  }
0x91: {  	s18 =	sld [smem:$0x3FD0];
	(tm) =	ssettm $0x1  }
0x92: {  	s4 =	sld [smem:$0x3FFB];
	_ =	sdelay $0x3  }
0x93: {  	_ =	strace s4  }
0x94: {  	s4 =	sld [smem:$0x3FFC];
	_ =	sdelay $0x3  }
0x95: {  	_ =	strace s4  }
0x96: {  	s4 =	sld [smem:$0x3FFD];
	_ =	sdelay $0x3  }
0x97: {  	_ =	strace s4  }
0x98: {  	_ =	strace $0x8FFFFFFF  }
0x99: {  	s19 =	sld [smem:$0x3FDB];
	_ =	sdelay $0x1  }
0x9a: {  	s5 =	simm.s32 $_scs_section_size  }
0x9b: {  	s6 =	simm.s32 $_size__tile_overlayer_lowered;
	s7 =	simm.s32 $_tile_overlayer_lowered  }
0x9c: {  	s22 =	simm.s32 $0x1BFF;
	s21 =	sshll.u32 s7, $0x1;
	s4 =	sadd.s32 s5, s19  }
0x9d: {  	s8 =	simm.s32 $0x0;
	s20 =	sshll.u32 s6, $0x1;
	s6 =	sadd.s32 s21, s4  }
0x9e: {  	[timem:s8], [sflag:s22] =	dma.local [hbm:s6], s20  }
0x9f: {  	_ =	swait.ge [sflag:s22], s20  }
0xa0: {  	s5 =	ssub.s32 $0x0, s20;
	[sflag:s22] =	ssyncset.done $0x0  }
0xa1: {  	[sflag:s22] =	ssyncadd.s32 s5;
	_ =	sdelay $0x1  }
0xa2: {  	s23 =	simm.s32 $0x1B8B  }
0xa3: {  	_ =	swait.ge [sflag:s23], $0x1  }
0xa4: {  	[sflag:s23] =	ssyncset.done $0x0  }
0xa5: {  	s25 =	simm.s32 $0x1B8E;
	s24 =	sld [smem:$0x3FFE];
	[sflag:s23] =	ssyncadd.s32 $0xFFFFFFFF  }
0xa6: {  	s26 =	simm.s32 $execute0_lowered;
	[smem:$0x3FD2] =	sst s25  }
0xa7: {  	s6 =	sshll.u32 s26, $0x1;
	_ =	strace $0x80000046;
	[dreg:$0x1] =	wrdreg $0xFFFFFFFF  }
0xa8: {  	s28 =	simm.s32 $_size_execute0_lowered;
	s4 =	sadd.s32 s4, s6;
	[dreg:$0x0] =	wrdreg $0x0  }
0xa9: {  	s6 =	sshll.u32 s28, $0x1;
	[dreg:$0x2] =	wrdreg s4  }
0xaa: {  	[dreg:$0x3] =	wrdreg s6  }
0xab: {  	[dreg:$0x4] =	wrdreg $0xC0  }
0xac: {  	_ =	task [dreg:s8], $0x5FFFF  }
0xad: {  	[dreg:$0x1] =	wrdreg $0xFFFFFFFF  }
0xae: {  	[dreg:$0x0] =	wrdreg $0x60  }
0xaf: {  	[dreg:$0x2] =	wrdreg s24  }
0xb0: {  	[dreg:$0x3] =	wrdreg s2  }
0xb1: {  	[dreg:$0x4] =	wrdreg s18  }
0xb2: {  	[dreg:$0x5] =	wrdreg $0x9  }
0xb3: {  	_ =	task.clear_ibuf [dreg:s8], $0x6FFFF;
	_ =	strace $0x90000046  }
0xb4: {  	s29 =	simm.s32 $0x9;
	_ =	strace $0x80000048  }
0xb5: {  	_ =	swait.ge [sflag:s29], $0x1  }
0xb6: {  	[sflag:s29] =	ssyncadd.s32 $0xFFFFFFFF  }
0xb7: {  	_ =	strace $0x90000048  }
0xb8: {  	_ =	sfence  }
0xb9: {  	s30 =	sld [smem:$0x0];
	_ =	sdelay $0x2  }
0xba: {  	s31 =	sshll.u32 s1, $0xD;
	s1 =	sshrl.u32 s1, $0x2  }
0xbb: {  	s3 =	sand.u32 $0x4000, s31;
	s1 =	sadd.s32 s1, s30  }
0xbc: {  	s0 =	sor.u32 s3, s0;
	s1 =	sshll.u32 s1, $0x11  }
0xbd: {  	s0 =	sor.u32 s1, s0  }
0xbe: {  	s0 =	sadd.s32 $0x8F2B, s0  }
0xbf: {  	[sflag:s0] =	ssyncadd.remote.s32 $0x1  }
0xc0: {  	_ =	sfence.sel $0xFFFF  }
0xc1: {  	[dreg:$0x0] =	wrdreg $0xFFFFFFFF;
	(pc) =	sbr.abs _section_cstart, $3  }
0xc2: {  	[dreg:$0x1] =	wrdreg $0xFFFFFFFF  }
0xc3: {  	_ =	task.clear_ibuf [dreg:s8], $0x2FFFF;
	_ =	strace $0x9FFFFFFF  }
0xc4: {  	(tm) =	ssettm $0x7FFFFFFF  }
0xc5: {  	_ =	shalt  }
tec
execute0_lowered:
.L_overlay_start_1:
0x0: {  	(tag) =	ssettag $0x1  }
0x1: {  	s0 =	rddreg [dreg:$0x0]  }
0x2: {  	s1 =	rddreg [dreg:$0x1]  }
0x3: {  	s2 =	rddreg [dreg:$0x2]  }
0x4: {  	s3 =	simm.s32 $0x0;
	s4 =	srdreg.scid;
	s5 =	stileid.u32  }
0x5: {  	s16 =	simm.s32 $0xA;
	s17 =	simm.s32 $0x1000;
	s22 =	simm.s32 $0x2  }
0x6: {  	s28 =	simm.s32 $0xDA00;
	s29 =	simm.s32 $0x4;
	s31 =	simm.s32 $0xEA00  }
0x7: {  	s14 =	simm.s32 $0xFA00;
	s15 =	simm.s32 $0x6;
	s20 =	simm.s32 $0x10A00  }
0x8: {  	s30 =	simm.s32 $0x11A00;
	s18 =	simm.s32 $0x9;
	s19 =	simm.s32 $0x0  }
0x9: {  	[smem:$0x7FF] =	sst s3;
	s4 =	sand.u32 $0x1, s4;
	s5 =	sshll.u32 s5, $0x1  }
0xa: {  	_ =	strace $0x80000047;
	s5 =	sor.u32 s4, s5;
	s4 =	ssub.s32 $0x2, s4  }
0xb: {  	s6 =	sshll.u32 s5, $0x6;
	s7 =	sshrl.u32 s4, $0x1;
	s5 =	sshll.u32 s5, $0x9  }
0xc: {  	s0 =	sadd.s32 s6, s0;
	s23 =	ssub.s32 s4, s7;
	s4 =	sadd.s32 s2, s5  }
0xd: {  	s2 =	simm.s32 $0x8;
	s0 =	sadd.s32 $0x400, s0;
	s24 =	sadd.s32 $0x4000, s4  }
0xe: {  	s25 =	sadd.s32 $0x8000, s4;
	s26 =	sadd.s32 $0xC000, s4;
	[dreg:$0x4] =	wrdreg s0  }
0xf: {  	s9 =	sadd.s32 $0x10000, s4;
	s10 =	sadd.s32 $0x14000, s4;
	[dreg:$0x5] =	wrdreg s24  }
0x10: {  	s11 =	sadd.s32 $0x18000, s4;
	s12 =	sadd.s32 $0x1C000, s4;
	[dreg:$0x6] =	wrdreg s25  }
0x11: {  	s13 =	smax.u32 s23, $0x1;
	s23 =	simm.s32 $0x7;
	[dreg:$0x7] =	wrdreg s26  }
0x12: {  	s25 =	simm.s32 $0x3;
	s0 =	simm.s32 $0x5;
	s26 =	simm.s32 $0x1  }
.LBB2_1:
0x13: {  	s5 =	rddreg [dreg:$0x4];
	s6 =	simm.s32 $0x200;
	s7 =	simm.s32 $0x4000  }
0x14: {  	[tilespmem:s3], [sflag:$0xA] =	stream.strided.gather [hbm4b:s5+s6], $0x2800, s7, s6, $0x38;
	[tilespmem:$0x12A00] =	vst v63  }
0x15: {  	_ =	swait.ge [sflag:s16], $0x2800  }
0x16: {  	[sflag:s16] =	ssyncset.done $0x0  }
0x17: {  	s21 =	simm.s32 $0x0;
	[sflag:s16] =	ssyncadd.s32 $0xFFFFD800  }
0x18: {  	v0 =	vld [tilespmem:s21+$0x400]  }
0x19: {  	v1 =	vld [tilespmem:s21+$0x200]  }
0x1a: {  	v2 =	vld [tilespmem:s21+$0x0]  }
0x1b: {  	v3 =	vld [tilespmem:s21+$0x600]  }
0x1c: {  	v4 =	vld [tilespmem:s21+$0x800]  }
0x1d: {  	v5 =	vld [tilespmem:s21+$0xA00]  }
0x1e: {  	v6 =	vld [tilespmem:s21+$0xC00];
	v1 =	vshll.u32 v1, $0x1  }
0x1f: {  	v9 =	vld [tilespmem:s21+$0x1A00];
	v7 =	vshll.u32 v0, $0x2;
	v1 =	vadd.s32 v2, v1  }
0x20: {  	v2 =	vshll.u32 v3, $0x3;
	v3 =	vld [tilespmem:s21+$0xE00];
	v1 =	vadd.s32 v7, v1  }
0x21: {  	v1 =	vadd.s32 v2, v1;
	v2 =	vshll.u32 v4, $0x4;
	v4 =	vld [tilespmem:s21+$0x1000]  }
0x22: {  	v1 =	vadd.s32 v2, v1;
	v2 =	vshll.u32 v5, $0x5;
	v5 =	vld [tilespmem:s21+$0x1200]  }
0x23: {  	v1 =	vadd.s32 v2, v1;
	v2 =	vshll.u32 v6, $0x6;
	v6 =	vld [tilespmem:s21+$0x1400]  }
0x24: {  	v1 =	vadd.s32 v2, v1;
	v2 =	vld [tilespmem:s21+$0x1600]  }
0x25: {  	v7 =	vld [tilespmem:s21+$0x1800];
	v3 =	vshll.u32 v3, $0xA;
	v8 =	vshll.u32 v1, $0x3  }
0x26: {  	v0 =	vld [tilespmem:s21+$0x2600];
	v4 =	vshll.u32 v4, $0xB;
	v3 =	vadd.s32 v3, v8  }
0x27: {  	v8 =	vld [tilespmem:s21+$0x1C00];
	v5 =	vshll.u32 v5, $0xC;
	v4 =	vadd.s32 v4, v3  }
0x28: {  	v3 =	vld [tilespmem:s21+$0x1E00];
	v6 =	vshll.u32 v6, $0xD;
	v5 =	vadd.s32 v5, v4  }
0x29: {  	v4 =	vld [tilespmem:s21+$0x2000];
	v2 =	vshll.u32 v2, $0xE;
	v6 =	vadd.s32 v6, v5  }
0x2a: {  	v7 =	vshll.u32 v7, $0xF;
	v5 =	vld [tilespmem:s21+$0x2200];
	v2 =	vadd.s32 v2, v6  }
0x2b: {  	s5 =	simm.s32 $0x10;
	v9 =	vshll.u32 v9, $0x10;
	v6 =	vld [tilespmem:s21+$0x2400];
	v10 =	vadd.s32 v7, v2  }
0x2c: {  	s6 =	simm.s32 $0x80;
	v2 =	vld [tilespmem:s5+$0x400];
	v7 =	vshll.u32 v8, $0x11;
	v8 =	vadd.s32 v9, v10  }
.LBB2_2:
0x2d: {  	p0 =	sne.s32 s6, $0x7C0;
	v9 =	vld [tilespmem:s5+$0x200];
	v3 =	vshll.u32 v3, $0x12;
	v7 =	vadd.s32 v7, v8  }
0x2e: {  	v8 =	vld [tilespmem:s5+$0x0];
	v4 =	vshll.u32 v4, $0x13;
	v3 =	vadd.s32 v3, v7  }
0x2f: {  	v7 =	vld [tilespmem:s5+$0x600];
	v5 =	vshll.u32 v5, $0x14;
	v3 =	vadd.s32 v4, v3  }
0x30: {  	v4 =	vld [tilespmem:s5+$0x800];
	v6 =	vshll.u32 v6, $0x15;
	v3 =	vadd.s32 v5, v3  }
0x31: {  	v0 =	vshll.u32 v0, $0x16;
	v5 =	vld [tilespmem:s5+$0xA00];
	v3 =	vadd.s32 v6, v3  }
0x32: {  	v2 =	vshll.u32 v2, $0x2;
	v6 =	vshll.u32 v9, $0x1;
	v9 =	vld [tilespmem:s5+$0xC00];
	v3 =	vadd.s32 v0, v3  }
0x33: {  	v1 =	vand.u32 $0x7F, v1;
	v6 =	vadd.s32 v8, v6;
	v0 =	vld [tilespmem:s5+$0x2600];
	v3 =	vand.u32 $0xFFFFFC00, v3  }
0x34: {  	v2 =	vadd.s32 v2, v6;
	v6 =	vshll.u32 v7, $0x3;
	v7 =	vld [tilespmem:s5+$0xE00];
	v1 =	vor.u32 v1, v3  }
0x35: {  	v2 =	vadd.s32 v6, v2;
	v3 =	vshll.u32 v4, $0x4;
	v4 =	vld [tilespmem:s5+$0x1000];
	[tilespmem:s21+$0x2800] =	vst v1;
	s21 =	smov.u32 s5  }
0x36: {  	v1 =	vadd.s32 v3, v2;
	v2 =	vshll.u32 v5, $0x5;
	v3 =	vld [tilespmem:s21+$0x1200]  }
0x37: {  	v1 =	vadd.s32 v2, v1;
	v2 =	vshll.u32 v9, $0x6;
	v5 =	vld [tilespmem:s21+$0x1400]  }
0x38: {  	v1 =	vadd.s32 v2, v1;
	v2 =	vld [tilespmem:s21+$0x1600]  }
0x39: {  	v6 =	vld [tilespmem:s21+$0x1800];
	v7 =	vshll.u32 v7, $0xA;
	v8 =	vshll.u32 v1, $0x3  }
0x3a: {  	v9 =	vld [tilespmem:s21+$0x1A00];
	v4 =	vshll.u32 v4, $0xB;
	v7 =	vadd.s32 v7, v8  }
0x3b: {  	v8 =	vld [tilespmem:s21+$0x1C00];
	v10 =	vshll.u32 v3, $0xC;
	v4 =	vadd.s32 v4, v7  }
.Ltmp0:
0x3c: {  	v3 =	vld [tilespmem:s21+$0x1E00];
	v5 =	vshll.u32 v5, $0xD;
	v7 =	vadd.s32 v10, v4;
	(pc) =	sbr.rel @p0 .LBB2_2-.Ltmp0, $4  }
0x3d: {  	v4 =	vld [tilespmem:s21+$0x2000];
	v2 =	vshll.u32 v2, $0xE;
	v7 =	vadd.s32 v5, v7  }
0x3e: {  	v5 =	vld [tilespmem:s21+$0x2200];
	v10 =	vshll.u32 v6, $0xF;
	v2 =	vadd.s32 v2, v7  }
0x3f: {  	s5 =	sshra.s32 s6, $0x2;
	v6 =	vld [tilespmem:s21+$0x2400];
	v9 =	vshll.u32 v9, $0x10;
	v10 =	vadd.s32 v10, v2  }
0x40: {  	s6 =	sadd.s32 $0x40, s6;
	v2 =	vld [tilespmem:s5+$0x400];
	v7 =	vshll.u32 v8, $0x11;
	v8 =	vadd.s32 v9, v10  }
0x41: {  	v9 =	vld [tilespmem:s5+$0x200];
	v3 =	vshll.u32 v3, $0x12;
	v7 =	vadd.s32 v7, v8  }
0x42: {  	v47 =	vld [tilespmem:s5+$0x0];
	v4 =	vshll.u32 v4, $0x13;
	v3 =	vadd.s32 v3, v7  }
0x43: {  	v48 =	vld [tilespmem:s5+$0x600];
	v5 =	vshll.u32 v5, $0x14;
	v3 =	vadd.s32 v4, v3  }
0x44: {  	v49 =	vld [tilespmem:s5+$0x800];
	v6 =	vshll.u32 v6, $0x15;
	v3 =	vadd.s32 v5, v3  }
0x45: {  	v50 =	vld [tilespmem:s5+$0xA00];
	v0 =	vshll.u32 v0, $0x16;
	v3 =	vadd.s32 v6, v3  }
0x46: {  	v51 =	vld [tilespmem:s5+$0xC00];
	v1 =	vand.u32 $0x7F, v1;
	v9 =	vshll.u32 v9, $0x1;
	v0 =	vadd.s32 v0, v3  }
0x47: {  	v52 =	vld [tilespmem:s5+$0xE00];
	v2 =	vshll.u32 v2, $0x2;
	v8 =	vadd.s32 v47, v9;
	v0 =	vand.u32 $0xFFFFFC00, v0  }
0x48: {  	v3 =	vld [tilespmem:s5+$0x2600];
	v7 =	vshll.u32 v48, $0x3;
	v2 =	vadd.s32 v2, v8;
	v0 =	vor.u32 v1, v0  }
0x49: {  	v4 =	vshll.u32 v49, $0x4;
	v1 =	vld [tilespmem:s5+$0x1000];
	v2 =	vadd.s32 v7, v2;
	[tilespmem:s21+$0x2800] =	vst v0  }
0x4a: {  	v0 =	vadd.s32 v4, v2;
	v2 =	vshll.u32 v50, $0x5;
	v53 =	vld [tilespmem:s5+$0x1200]  }
0x4b: {  	v54 =	vld [tilespmem:s5+$0x1400];
	v0 =	vadd.s32 v2, v0;
	v2 =	vshll.u32 v51, $0x6  }
0x4c: {  	v0 =	vadd.s32 v2, v0;
	v2 =	vld [tilespmem:s5+$0x1600]  }
0x4d: {  	v56 =	vshll.u32 v52, $0xA;
	v55 =	vld [tilespmem:s5+$0x1800];
	v57 =	vshll.u32 v0, $0x3  }
0x4e: {  	v58 =	vld [tilespmem:s5+$0x1A00];
	v1 =	vshll.u32 v1, $0xB;
	v7 =	vadd.s32 v56, v57  }
0x4f: {  	v59 =	vld [tilespmem:s5+$0x1C00];
	v4 =	vshll.u32 v53, $0xC;
	v1 =	vadd.s32 v1, v7  }
0x50: {  	v60 =	vld [tilespmem:s5+$0x1E00];
	v5 =	vshll.u32 v54, $0xD;
	v1 =	vadd.s32 v4, v1  }
0x51: {  	v61 =	vld [tilespmem:s5+$0x2000];
	v2 =	vshll.u32 v2, $0xE;
	v1 =	vadd.s32 v5, v1  }
0x52: {  	v62 =	vld [tilespmem:s5+$0x2200];
	v6 =	vshll.u32 v55, $0xF;
	v1 =	vadd.s32 v2, v1  }
0x53: {  	v9 =	vshll.u32 v58, $0x10;
	v2 =	vld [tilespmem:s5+$0x2400];
	v1 =	vadd.s32 v6, v1  }
0x54: {  	v63 =	vshll.u32 v59, $0x11;
	v1 =	vadd.s32 v9, v1  }
0x55: {  	v7 =	vshll.u32 v60, $0x12;
	v1 =	vadd.s32 v63, v1  }
0x56: {  	v4 =	vshll.u32 v61, $0x13;
	v1 =	vadd.s32 v7, v1  }
0x57: {  	v5 =	vshll.u32 v62, $0x14;
	v1 =	vadd.s32 v4, v1  }
0x58: {  	v2 =	vshll.u32 v2, $0x15;
	v1 =	vadd.s32 v5, v1  }
0x59: {  	v3 =	vshll.u32 v3, $0x16;
	v1 =	vadd.s32 v2, v1  }
0x5a: {  	v1 =	vadd.s32 v3, v1  }
0x5b: {  	s6 =	simm.s32 $0x0;
	s7 =	simm.s32 $0x0;
	v0 =	vand.u32 $0x7F, v0;
	v1 =	vand.u32 $0xFFFFFC00, v1  }
0x5c: {  	s6 =	sand.u32 $0x70, s6;
	s7 =	sand.u32 $0x3FFFFF80, s7;
	v0 =	vor.u32 v0, v1  }
0x5d: {  	s21 =	sor.u32 s6, s7;
	[tilespmem:s5+$0x2800] =	vst v0  }
0x5e: {  	v0 =	vld [tilespmem:s21+$0x2800];
	_ =	sdelay $0x1  }
0x5f: {  	s24 =	simm.s32 $0x0  }
0x60: {  	s5 =	sand.u32 $0x3FFFFC00, s24  }
0x61: {  	s6 =	sor.u32 s6, s5  }
0x62: {  	[tilespmem:s6+$0x2A00] =	vst v0;
	v1 =	vadd.s32 $0x80, v0  }
0x63: {  	v2 =	vadd.s32 $0x100, v0;
	[tilespmem:s6+$0x2A80] =	vst v1  }
0x64: {  	v3 =	vadd.s32 $0x280, v0;
	[tilespmem:s6+$0x2B00] =	vst v2  }
0x65: {  	v1 =	vadd.s32 $0x180, v0;
	[tilespmem:s6+$0x2C80] =	vst v3  }
0x66: {  	s7 =	simm.s32 $0x10;
	v2 =	vadd.s32 $0x200, v0;
	[tilespmem:s6+$0x2B80] =	vst v1  }
0x67: {  	s24 =	simm.s32 $0x10;
	s5 =	simm.s32 $0x1;
	s21 =	simm.s32 $0x2;
	[tilespmem:s6+$0x2C00] =	vst v2;
	v1 =	vadd.s32 $0x300, v0;
	v0 =	vadd.s32 $0x380, v0  }
.LBB2_4:
0x68: {  	p0 =	sne.s32 s21, $0x1F;
	s8 =	sand.u32 $0x70, s24;
	s7 =	sand.u32 $0x3FFFFF80, s7;
	[tilespmem:s6+$0x2D00] =	vst v1  }
0x69: {  	s7 =	sor.u32 s8, s7;
	[tilespmem:s6+$0x2D80] =	vst v0  }
0x6a: {  	v0 =	vld [tilespmem:s7+$0x2800];
	_ =	sdelay $0x1  }
0x6b: {  	s6 =	sshll.u32 s5, $0x7;
	s5 =	smov.u32 s21  }
0x6c: {  	s6 =	sand.u32 $0x3FFFFC00, s6  }
0x6d: {  	s6 =	sor.u32 s8, s6  }
0x6e: {  	[tilespmem:s6+$0x2A00] =	vst v0;
	v1 =	vadd.s32 $0x80, v0;
	v2 =	vadd.s32 $0x100, v0;
	v3 =	vadd.s32 $0x180, v0  }
.Ltmp1:
0x6f: {  	v4 =	vadd.s32 $0x200, v0;
	v5 =	vadd.s32 $0x280, v0;
	[tilespmem:s6+$0x2A80] =	vst v1;
	v1 =	vadd.s32 $0x300, v0;
	(pc) =	sbr.rel @p0 .LBB2_4-.Ltmp1, $4  }
0x70: {  	v0 =	vadd.s32 $0x380, v0;
	[tilespmem:s6+$0x2B00] =	vst v2  }
0x71: {  	[tilespmem:s6+$0x2B80] =	vst v3  }
0x72: {  	[tilespmem:s6+$0x2C00] =	vst v4  }
0x73: {  	s24 =	sadd.s32 $0x10, s24;
	s21 =	sadd.s32 $0x1, s21;
	s7 =	sshll.u32 s5, $0x4;
	[tilespmem:s6+$0x2C80] =	vst v5  }
0x74: {  	s8 =	sand.u32 $0x70, s24;
	s7 =	sand.u32 $0x3FFFFF80, s7;
	[tilespmem:s6+$0x2D00] =	vst v1  }
0x75: {  	[tilespmem:s6+$0x2D80] =	vst v0;
	s7 =	sor.u32 s8, s7  }
0x76: {  	v0 =	vld [tilespmem:s7+$0x2800];
	_ =	sdelay $0x1  }
0x77: {  	s5 =	sshll.u32 s5, $0x7  }
0x78: {  	s5 =	sand.u32 $0x3FFFFC00, s5  }
0x79: {  	s5 =	sor.u32 s8, s5  }
0x7a: {  	[tilespmem:s5+$0x2A00] =	vst v0;
	v1 =	vadd.s32 $0x80, v0  }
0x7b: {  	v2 =	vadd.s32 $0x100, v0;
	[tilespmem:s5+$0x2A80] =	vst v1  }
0x7c: {  	v1 =	vadd.s32 $0x180, v0;
	[tilespmem:s5+$0x2B00] =	vst v2  }
0x7d: {  	v2 =	vadd.s32 $0x200, v0;
	[tilespmem:s5+$0x2B80] =	vst v1  }
0x7e: {  	v1 =	vadd.s32 $0x280, v0;
	[tilespmem:s5+$0x2C00] =	vst v2  }
0x7f: {  	v2 =	vadd.s32 $0x300, v0;
	[tilespmem:s5+$0x2C80] =	vst v1  }
0x80: {  	s6 =	simm.s32 $0x2A00;
	v0 =	vadd.s32 $0x380, v0;
	[tilespmem:s5+$0x2D00] =	vst v2  }
0x81: {  	s21 =	simm.s32 $0x0;
	s7 =	simm.s32 $0xAA00;
	s8 =	simm.s32 $0x0;
	[tilespmem:s5+$0x2D80] =	vst v0  }
0x82: {  	[tilespmem:s7], [sflag:$0x2] =	stream.indirect.gather [hbm4b:s1+s17], $0x1, s6, s17, $0xb8;
	[tilespmem:$0x12A00] =	vst v63  }
0x83: {  	s5 =	sand.u32 $0x70, s8;
	s6 =	sand.u32 $0x3FFFFF80, s21  }
0x84: {  	s6 =	sor.u32 s5, s6  }
0x85: {  	v0 =	vld [tilespmem:s6+$0x2800];
	_ =	sdelay $0x2  }
0x86: {  	s24 =	simm.s32 $0x0  }
0x87: {  	s6 =	sand.u32 $0x3FFFFC00, s24  }
0x88: {  	s6 =	sor.u32 s5, s6;
	v1 =	vadd.s32 $0x800000, v0  }
0x89: {  	v2 =	vadd.s32 $0x800080, v0;
	[tilespmem:s6+$0x3A00] =	vst v1  }
0x8a: {  	v1 =	vadd.s32 $0x800100, v0;
	[tilespmem:s6+$0x3A80] =	vst v2  }
0x8b: {  	v2 =	vadd.s32 $0x800180, v0;
	[tilespmem:s6+$0x3B00] =	vst v1  }
0x8c: {  	v1 =	vadd.s32 $0x800200, v0;
	[tilespmem:s6+$0x3B80] =	vst v2  }
0x8d: {  	s7 =	simm.s32 $0x10;
	v2 =	vadd.s32 $0x800280, v0;
	[tilespmem:s6+$0x3C00] =	vst v1  }
0x8e: {  	s21 =	simm.s32 $0x2;
	s24 =	simm.s32 $0x10;
	s5 =	simm.s32 $0x1;
	v1 =	vadd.s32 $0x800300, v0;
	v0 =	vadd.s32 $0x800380, v0;
	[tilespmem:s6+$0x3C80] =	vst v2  }
.LBB2_6:
0x8f: {  	p0 =	sne.s32 s21, $0x1F;
	s8 =	sand.u32 $0x70, s24;
	s7 =	sand.u32 $0x3FFFFF80, s7;
	[tilespmem:s6+$0x3D00] =	vst v1  }
0x90: {  	s7 =	sor.u32 s8, s7;
	[tilespmem:s6+$0x3D80] =	vst v0  }
0x91: {  	v0 =	vld [tilespmem:s7+$0x2800];
	_ =	sdelay $0x2  }
0x92: {  	s6 =	sshll.u32 s5, $0x7;
	s5 =	smov.u32 s21  }
0x93: {  	s6 =	sand.u32 $0x3FFFFC00, s6  }
0x94: {  	s6 =	sor.u32 s8, s6;
	v1 =	vadd.s32 $0x800000, v0;
	v2 =	vadd.s32 $0x800080, v0;
	v3 =	vadd.s32 $0x800100, v0  }
0x95: {  	v4 =	vadd.s32 $0x800180, v0;
	v5 =	vadd.s32 $0x800200, v0;
	[tilespmem:s6+$0x3A00] =	vst v1  }
.Ltmp2:
0x96: {  	v1 =	vadd.s32 $0x800300, v0;
	[tilespmem:s6+$0x3A80] =	vst v2;
	v2 =	vadd.s32 $0x800280, v0;
	(pc) =	sbr.rel @p0 .LBB2_6-.Ltmp2, $4  }
0x97: {  	v0 =	vadd.s32 $0x800380, v0;
	[tilespmem:s6+$0x3B00] =	vst v3  }
0x98: {  	[tilespmem:s6+$0x3B80] =	vst v4  }
0x99: {  	[tilespmem:s6+$0x3C00] =	vst v5  }
0x9a: {  	s24 =	sadd.s32 $0x10, s24;
	s21 =	sadd.s32 $0x1, s21;
	s7 =	sshll.u32 s5, $0x4;
	[tilespmem:s6+$0x3C80] =	vst v2  }
0x9b: {  	s8 =	sand.u32 $0x70, s24;
	s7 =	sand.u32 $0x3FFFFF80, s7;
	[tilespmem:s6+$0x3D00] =	vst v1  }
0x9c: {  	[tilespmem:s6+$0x3D80] =	vst v0;
	s7 =	sor.u32 s8, s7  }
0x9d: {  	v0 =	vld [tilespmem:s7+$0x2800];
	_ =	sdelay $0x2  }
0x9e: {  	s5 =	sshll.u32 s5, $0x7  }
0x9f: {  	s5 =	sand.u32 $0x3FFFFC00, s5  }
0xa0: {  	s5 =	sor.u32 s8, s5;
	v1 =	vadd.s32 $0x800000, v0  }
0xa1: {  	v2 =	vadd.s32 $0x800080, v0;
	[tilespmem:s5+$0x3A00] =	vst v1  }
0xa2: {  	v1 =	vadd.s32 $0x800100, v0;
	[tilespmem:s5+$0x3A80] =	vst v2  }
0xa3: {  	v2 =	vadd.s32 $0x800180, v0;
	[tilespmem:s5+$0x3B00] =	vst v1  }
0xa4: {  	v1 =	vadd.s32 $0x800200, v0;
	[tilespmem:s5+$0x3B80] =	vst v2  }
0xa5: {  	v2 =	vadd.s32 $0x800280, v0;
	[tilespmem:s5+$0x3C00] =	vst v1  }
0xa6: {  	v1 =	vadd.s32 $0x800300, v0;
	[tilespmem:s5+$0x3C80] =	vst v2  }
0xa7: {  	v0 =	vadd.s32 $0x800380, v0;
	[tilespmem:s5+$0x3D00] =	vst v1  }
0xa8: {  	s21 =	simm.s32 $0x3A00;
	s24 =	simm.s32 $0xBA00;
	[tilespmem:s5+$0x3D80] =	vst v0  }
0xa9: {  	[tilespmem:s24], [sflag:$0x3] =	stream.indirect.gather [hbm4b:s1+s17], $0x1, s21, s17, $0xb8;
	[tilespmem:$0x12A00] =	vst v63  }
0xaa: {  	s7 =	simm.s32 $0x0;
	s21 =	simm.s32 $0x0;
	_ =	swait.ge [sflag:s22], $0x1000  }
0xab: {  	s5 =	sand.u32 $0x70, s7;
	s6 =	sand.u32 $0x3FFFFF80, s21;
	[sflag:s22] =	ssyncset.done $0x0  }
0xac: {  	s8 =	simm.s32 $0xAA00;
	s6 =	sor.u32 s5, s6;
	[sflag:s22] =	ssyncadd.s32 $0xFFFFF000  }
0xad: {  	[hbm4b:s4+s7] =	stream.linear.scatter [tilespmem:s8], [sflag:$0x1], $0x1000, $0x38;
	[tilespmem:$0x12A00] =	vst v63  }
0xae: {  	v0 =	vld [tilespmem:s6+$0x2800];
	_ =	sdelay $0x2  }
0xaf: {  	s24 =	simm.s32 $0x0  }
0xb0: {  	s6 =	sand.u32 $0x3FFFFC00, s24  }
0xb1: {  	s6 =	sor.u32 s5, s6;
	v1 =	vadd.s32 $0x1000000, v0  }
0xb2: {  	v2 =	vadd.s32 $0x1000080, v0;
	[tilespmem:s6+$0x4A00] =	vst v1  }
0xb3: {  	v1 =	vadd.s32 $0x1000100, v0;
	[tilespmem:s6+$0x4A80] =	vst v2  }
0xb4: {  	v2 =	vadd.s32 $0x1000180, v0;
	[tilespmem:s6+$0x4B00] =	vst v1  }
0xb5: {  	v1 =	vadd.s32 $0x1000200, v0;
	[tilespmem:s6+$0x4B80] =	vst v2  }
0xb6: {  	s21 =	simm.s32 $0x2;
	v2 =	vadd.s32 $0x1000280, v0;
	[tilespmem:s6+$0x4C00] =	vst v1  }
0xb7: {  	s7 =	simm.s32 $0x10;
	s24 =	simm.s32 $0x10;
	s5 =	simm.s32 $0x1;
	v1 =	vadd.s32 $0x1000300, v0;
	v0 =	vadd.s32 $0x1000380, v0;
	[tilespmem:s6+$0x4C80] =	vst v2  }
.LBB2_8:
0xb8: {  	p0 =	sne.s32 s21, $0x1F;
	s8 =	sand.u32 $0x70, s24;
	s7 =	sand.u32 $0x3FFFFF80, s7;
	[tilespmem:s6+$0x4D00] =	vst v1  }
0xb9: {  	s7 =	sor.u32 s8, s7;
	[tilespmem:s6+$0x4D80] =	vst v0  }
0xba: {  	v0 =	vld [tilespmem:s7+$0x2800];
	_ =	sdelay $0x2  }
0xbb: {  	s6 =	sshll.u32 s5, $0x7;
	s5 =	smov.u32 s21  }
0xbc: {  	s6 =	sand.u32 $0x3FFFFC00, s6  }
0xbd: {  	s6 =	sor.u32 s8, s6;
	v1 =	vadd.s32 $0x1000000, v0;
	v2 =	vadd.s32 $0x1000080, v0;
	v3 =	vadd.s32 $0x1000100, v0  }
0xbe: {  	v4 =	vadd.s32 $0x1000180, v0;
	v5 =	vadd.s32 $0x1000200, v0;
	[tilespmem:s6+$0x4A00] =	vst v1  }
.Ltmp3:
0xbf: {  	v1 =	vadd.s32 $0x1000300, v0;
	[tilespmem:s6+$0x4A80] =	vst v2;
	v2 =	vadd.s32 $0x1000280, v0;
	(pc) =	sbr.rel @p0 .LBB2_8-.Ltmp3, $4  }
0xc0: {  	v0 =	vadd.s32 $0x1000380, v0;
	[tilespmem:s6+$0x4B00] =	vst v3  }
0xc1: {  	[tilespmem:s6+$0x4B80] =	vst v4  }
0xc2: {  	[tilespmem:s6+$0x4C00] =	vst v5  }
0xc3: {  	s24 =	sadd.s32 $0x10, s24;
	s21 =	sadd.s32 $0x1, s21;
	s7 =	sshll.u32 s5, $0x4;
	[tilespmem:s6+$0x4C80] =	vst v2  }
0xc4: {  	s8 =	sand.u32 $0x70, s24;
	s7 =	sand.u32 $0x3FFFFF80, s7;
	[tilespmem:s6+$0x4D00] =	vst v1  }
0xc5: {  	[tilespmem:s6+$0x4D80] =	vst v0;
	s7 =	sor.u32 s8, s7  }
0xc6: {  	v0 =	vld [tilespmem:s7+$0x2800];
	_ =	sdelay $0x2  }
0xc7: {  	s5 =	sshll.u32 s5, $0x7  }
0xc8: {  	s5 =	sand.u32 $0x3FFFFC00, s5  }
0xc9: {  	s5 =	sor.u32 s8, s5;
	v1 =	vadd.s32 $0x1000000, v0  }
0xca: {  	v2 =	vadd.s32 $0x1000080, v0;
	[tilespmem:s5+$0x4A00] =	vst v1  }
0xcb: {  	v1 =	vadd.s32 $0x1000100, v0;
	[tilespmem:s5+$0x4A80] =	vst v2  }
0xcc: {  	v2 =	vadd.s32 $0x1000180, v0;
	[tilespmem:s5+$0x4B00] =	vst v1  }
0xcd: {  	v1 =	vadd.s32 $0x1000200, v0;
	[tilespmem:s5+$0x4B80] =	vst v2  }
0xce: {  	v2 =	vadd.s32 $0x1000280, v0;
	[tilespmem:s5+$0x4C00] =	vst v1  }
0xcf: {  	v1 =	vadd.s32 $0x1000300, v0;
	[tilespmem:s5+$0x4C80] =	vst v2  }
0xd0: {  	v0 =	vadd.s32 $0x1000380, v0;
	[tilespmem:s5+$0x4D00] =	vst v1  }
0xd1: {  	s21 =	simm.s32 $0xCA00;
	s24 =	simm.s32 $0x0;
	s8 =	simm.s32 $0x4A00;
	[tilespmem:s5+$0x4D80] =	vst v0  }
0xd2: {  	[tilespmem:s21], [sflag:$0x4] =	stream.indirect.gather [hbm4b:s1+s17], $0x1, s8, s17, $0xb8;
	[tilespmem:$0x12A00] =	vst v63  }
0xd3: {  	s5 =	sand.u32 $0x70, s24;
	s21 =	simm.s32 $0x0;
	_ =	swait.ge [sflag:s25], $0x1000  }
0xd4: {  	s8 =	simm.s32 $0xBA00;
	s6 =	sand.u32 $0x3FFFFF80, s21;
	[sflag:s25] =	ssyncset.done $0x0  }
0xd5: {  	s7 =	rddreg [dreg:$0x5];
	s6 =	sor.u32 s5, s6;
	[sflag:s25] =	ssyncadd.s32 $0xFFFFF000  }
0xd6: {  	[hbm4b:s7+s24] =	stream.linear.scatter [tilespmem:s8], [sflag:$0x1], $0x1000, $0x38;
	[tilespmem:$0x12A00] =	vst v63  }
0xd7: {  	v0 =	vld [tilespmem:s6+$0x2800];
	_ =	sdelay $0x2  }
0xd8: {  	s24 =	simm.s32 $0x0  }
0xd9: {  	s6 =	sand.u32 $0x3FFFFC00, s24  }
0xda: {  	s6 =	sor.u32 s5, s6;
	v1 =	vadd.s32 $0x1800000, v0  }
0xdb: {  	v2 =	vadd.s32 $0x1800080, v0;
	[tilespmem:s6+$0x5A00] =	vst v1  }
0xdc: {  	v1 =	vadd.s32 $0x1800100, v0;
	[tilespmem:s6+$0x5A80] =	vst v2  }
0xdd: {  	v2 =	vadd.s32 $0x1800180, v0;
	[tilespmem:s6+$0x5B00] =	vst v1  }
0xde: {  	v1 =	vadd.s32 $0x1800200, v0;
	[tilespmem:s6+$0x5B80] =	vst v2  }
0xdf: {  	s21 =	simm.s32 $0x2;
	v2 =	vadd.s32 $0x1800280, v0;
	[tilespmem:s6+$0x5C00] =	vst v1  }
0xe0: {  	s7 =	simm.s32 $0x10;
	s24 =	simm.s32 $0x10;
	s5 =	simm.s32 $0x1;
	v1 =	vadd.s32 $0x1800300, v0;
	v0 =	vadd.s32 $0x1800380, v0;
	[tilespmem:s6+$0x5C80] =	vst v2  }
.LBB2_10:
0xe1: {  	p0 =	sne.s32 s21, $0x1F;
	s8 =	sand.u32 $0x70, s24;
	s7 =	sand.u32 $0x3FFFFF80, s7;
	[tilespmem:s6+$0x5D00] =	vst v1  }
0xe2: {  	s7 =	sor.u32 s8, s7;
	[tilespmem:s6+$0x5D80] =	vst v0  }
0xe3: {  	v0 =	vld [tilespmem:s7+$0x2800];
	_ =	sdelay $0x2  }
0xe4: {  	s6 =	sshll.u32 s5, $0x7;
	s5 =	smov.u32 s21  }
0xe5: {  	s6 =	sand.u32 $0x3FFFFC00, s6  }
0xe6: {  	s6 =	sor.u32 s8, s6;
	v1 =	vadd.s32 $0x1800000, v0;
	v2 =	vadd.s32 $0x1800080, v0;
	v3 =	vadd.s32 $0x1800100, v0  }
0xe7: {  	v4 =	vadd.s32 $0x1800180, v0;
	v5 =	vadd.s32 $0x1800200, v0;
	[tilespmem:s6+$0x5A00] =	vst v1  }
.Ltmp4:
0xe8: {  	v1 =	vadd.s32 $0x1800300, v0;
	[tilespmem:s6+$0x5A80] =	vst v2;
	v2 =	vadd.s32 $0x1800280, v0;
	(pc) =	sbr.rel @p0 .LBB2_10-.Ltmp4, $4  }
0xe9: {  	v0 =	vadd.s32 $0x1800380, v0;
	[tilespmem:s6+$0x5B00] =	vst v3  }
0xea: {  	[tilespmem:s6+$0x5B80] =	vst v4  }
0xeb: {  	[tilespmem:s6+$0x5C00] =	vst v5  }
0xec: {  	s24 =	sadd.s32 $0x10, s24;
	s21 =	sadd.s32 $0x1, s21;
	s7 =	sshll.u32 s5, $0x4;
	[tilespmem:s6+$0x5C80] =	vst v2  }
0xed: {  	s8 =	sand.u32 $0x70, s24;
	s7 =	sand.u32 $0x3FFFFF80, s7;
	[tilespmem:s6+$0x5D00] =	vst v1  }
0xee: {  	[tilespmem:s6+$0x5D80] =	vst v0;
	s7 =	sor.u32 s8, s7  }
0xef: {  	v0 =	vld [tilespmem:s7+$0x2800];
	_ =	sdelay $0x2  }
0xf0: {  	s5 =	sshll.u32 s5, $0x7  }
0xf1: {  	s5 =	sand.u32 $0x3FFFFC00, s5  }
0xf2: {  	s5 =	sor.u32 s8, s5;
	v1 =	vadd.s32 $0x1800000, v0  }
0xf3: {  	v2 =	vadd.s32 $0x1800080, v0;
	[tilespmem:s5+$0x5A00] =	vst v1  }
0xf4: {  	v1 =	vadd.s32 $0x1800100, v0;
	[tilespmem:s5+$0x5A80] =	vst v2  }
0xf5: {  	v2 =	vadd.s32 $0x1800180, v0;
	[tilespmem:s5+$0x5B00] =	vst v1  }
0xf6: {  	v1 =	vadd.s32 $0x1800200, v0;
	[tilespmem:s5+$0x5B80] =	vst v2  }
0xf7: {  	v2 =	vadd.s32 $0x1800280, v0;
	[tilespmem:s5+$0x5C00] =	vst v1  }
0xf8: {  	v1 =	vadd.s32 $0x1800300, v0;
	[tilespmem:s5+$0x5C80] =	vst v2  }
0xf9: {  	v0 =	vadd.s32 $0x1800380, v0;
	[tilespmem:s5+$0x5D00] =	vst v1  }
0xfa: {  	s21 =	simm.s32 $0x5A00;
	s24 =	simm.s32 $0x0;
	[tilespmem:s5+$0x5D80] =	vst v0  }
0xfb: {  	[tilespmem:s28], [sflag:$0x5] =	stream.indirect.gather [hbm4b:s1+s17], $0x1, s21, s17, $0xb8;
	[tilespmem:$0x12A00] =	vst v63  }
0xfc: {  	s8 =	simm.s32 $0xCA00;
	s21 =	simm.s32 $0x0;
	_ =	swait.ge [sflag:s29], $0x1000  }
0xfd: {  	s5 =	sand.u32 $0x70, s24;
	s6 =	sand.u32 $0x3FFFFF80, s21;
	[sflag:s29] =	ssyncset.done $0x0  }
0xfe: {  	s7 =	rddreg [dreg:$0x6];
	s6 =	sor.u32 s5, s6;
	[sflag:s29] =	ssyncadd.s32 $0xFFFFF000  }
0xff: {  	[hbm4b:s7+s24] =	stream.linear.scatter [tilespmem:s8], [sflag:$0x1], $0x1000, $0x38;
	[tilespmem:$0x12A00] =	vst v63  }
0x100: {  	v0 =	vld [tilespmem:s6+$0x2800];
	_ =	sdelay $0x2  }
0x101: {  	s24 =	simm.s32 $0x0  }
0x102: {  	s6 =	sand.u32 $0x3FFFFC00, s24  }
0x103: {  	s6 =	sor.u32 s5, s6;
	v1 =	vadd.s32 $0x2000000, v0  }
0x104: {  	v2 =	vadd.s32 $0x2000080, v0;
	[tilespmem:s6+$0x6A00] =	vst v1  }
0x105: {  	v1 =	vadd.s32 $0x2000100, v0;
	[tilespmem:s6+$0x6A80] =	vst v2  }
0x106: {  	v2 =	vadd.s32 $0x2000180, v0;
	[tilespmem:s6+$0x6B00] =	vst v1  }
0x107: {  	v1 =	vadd.s32 $0x2000200, v0;
	[tilespmem:s6+$0x6B80] =	vst v2  }
0x108: {  	s21 =	simm.s32 $0x2;
	v2 =	vadd.s32 $0x2000280, v0;
	[tilespmem:s6+$0x6C00] =	vst v1  }
0x109: {  	s7 =	simm.s32 $0x10;
	s24 =	simm.s32 $0x10;
	s5 =	simm.s32 $0x1;
	v1 =	vadd.s32 $0x2000300, v0;
	v0 =	vadd.s32 $0x2000380, v0;
	[tilespmem:s6+$0x6C80] =	vst v2  }
.LBB2_12:
0x10a: {  	p0 =	sne.s32 s21, $0x1F;
	s8 =	sand.u32 $0x70, s24;
	s7 =	sand.u32 $0x3FFFFF80, s7;
	[tilespmem:s6+$0x6D00] =	vst v1  }
0x10b: {  	s7 =	sor.u32 s8, s7;
	[tilespmem:s6+$0x6D80] =	vst v0  }
0x10c: {  	v0 =	vld [tilespmem:s7+$0x2800];
	_ =	sdelay $0x2  }
0x10d: {  	s6 =	sshll.u32 s5, $0x7;
	s5 =	smov.u32 s21  }
0x10e: {  	s6 =	sand.u32 $0x3FFFFC00, s6  }
0x10f: {  	s6 =	sor.u32 s8, s6;
	v1 =	vadd.s32 $0x2000000, v0;
	v2 =	vadd.s32 $0x2000080, v0;
	v3 =	vadd.s32 $0x2000100, v0  }
0x110: {  	v4 =	vadd.s32 $0x2000180, v0;
	v5 =	vadd.s32 $0x2000200, v0;
	[tilespmem:s6+$0x6A00] =	vst v1  }
.Ltmp5:
0x111: {  	v1 =	vadd.s32 $0x2000300, v0;
	[tilespmem:s6+$0x6A80] =	vst v2;
	v2 =	vadd.s32 $0x2000280, v0;
	(pc) =	sbr.rel @p0 .LBB2_12-.Ltmp5, $4  }
0x112: {  	v0 =	vadd.s32 $0x2000380, v0;
	[tilespmem:s6+$0x6B00] =	vst v3  }
0x113: {  	[tilespmem:s6+$0x6B80] =	vst v4  }
0x114: {  	[tilespmem:s6+$0x6C00] =	vst v5  }
0x115: {  	s24 =	sadd.s32 $0x10, s24;
	s21 =	sadd.s32 $0x1, s21;
	s7 =	sshll.u32 s5, $0x4;
	[tilespmem:s6+$0x6C80] =	vst v2  }
0x116: {  	s8 =	sand.u32 $0x70, s24;
	s7 =	sand.u32 $0x3FFFFF80, s7;
	[tilespmem:s6+$0x6D00] =	vst v1  }
0x117: {  	[tilespmem:s6+$0x6D80] =	vst v0;
	s7 =	sor.u32 s8, s7  }
0x118: {  	v0 =	vld [tilespmem:s7+$0x2800];
	_ =	sdelay $0x2  }
0x119: {  	s5 =	sshll.u32 s5, $0x7  }
0x11a: {  	s5 =	sand.u32 $0x3FFFFC00, s5  }
0x11b: {  	s5 =	sor.u32 s8, s5;
	v1 =	vadd.s32 $0x2000000, v0  }
0x11c: {  	v2 =	vadd.s32 $0x2000080, v0;
	[tilespmem:s5+$0x6A00] =	vst v1  }
0x11d: {  	v1 =	vadd.s32 $0x2000100, v0;
	[tilespmem:s5+$0x6A80] =	vst v2  }
0x11e: {  	v2 =	vadd.s32 $0x2000180, v0;
	[tilespmem:s5+$0x6B00] =	vst v1  }
0x11f: {  	v1 =	vadd.s32 $0x2000200, v0;
	[tilespmem:s5+$0x6B80] =	vst v2  }
0x120: {  	v2 =	vadd.s32 $0x2000280, v0;
	[tilespmem:s5+$0x6C00] =	vst v1  }
0x121: {  	v1 =	vadd.s32 $0x2000300, v0;
	[tilespmem:s5+$0x6C80] =	vst v2  }
0x122: {  	v0 =	vadd.s32 $0x2000380, v0;
	[tilespmem:s5+$0x6D00] =	vst v1  }
0x123: {  	s6 =	simm.s32 $0x6A00;
	[tilespmem:s5+$0x6D80] =	vst v0  }
0x124: {  	[tilespmem:s31], [sflag:$0x6] =	stream.indirect.gather [hbm4b:s1+s17], $0x1, s6, s17, $0xb8;
	[tilespmem:$0x12A00] =	vst v63  }
0x125: {  	s21 =	simm.s32 $0x0;
	s7 =	simm.s32 $0x0;
	_ =	swait.ge [sflag:s0], $0x1000  }
0x126: {  	s5 =	sand.u32 $0x70, s7;
	s6 =	sand.u32 $0x3FFFFF80, s21;
	[sflag:s0] =	ssyncset.done $0x0  }
0x127: {  	s6 =	sor.u32 s5, s6;
	s8 =	rddreg [dreg:$0x7];
	[sflag:s0] =	ssyncadd.s32 $0xFFFFF000  }
0x128: {  	[hbm4b:s8+s7] =	stream.linear.scatter [tilespmem:s28], [sflag:$0x1], $0x1000, $0x38;
	[tilespmem:$0x12A00] =	vst v63  }
0x129: {  	v0 =	vld [tilespmem:s6+$0x2800];
	_ =	sdelay $0x2  }
0x12a: {  	s24 =	simm.s32 $0x0  }
0x12b: {  	s6 =	sand.u32 $0x3FFFFC00, s24  }
0x12c: {  	s6 =	sor.u32 s5, s6;
	v1 =	vadd.s32 $0x2800000, v0  }
0x12d: {  	v2 =	vadd.s32 $0x2800080, v0;
	[tilespmem:s6+$0x7A00] =	vst v1  }
0x12e: {  	v1 =	vadd.s32 $0x2800100, v0;
	[tilespmem:s6+$0x7A80] =	vst v2  }
0x12f: {  	v2 =	vadd.s32 $0x2800180, v0;
	[tilespmem:s6+$0x7B00] =	vst v1  }
0x130: {  	v1 =	vadd.s32 $0x2800200, v0;
	[tilespmem:s6+$0x7B80] =	vst v2  }
0x131: {  	s21 =	simm.s32 $0x2;
	v2 =	vadd.s32 $0x2800280, v0;
	[tilespmem:s6+$0x7C00] =	vst v1  }
0x132: {  	s7 =	simm.s32 $0x10;
	s24 =	simm.s32 $0x10;
	s5 =	simm.s32 $0x1;
	v1 =	vadd.s32 $0x2800300, v0;
	v0 =	vadd.s32 $0x2800380, v0;
	[tilespmem:s6+$0x7C80] =	vst v2  }
.LBB2_14:
0x133: {  	p0 =	sne.s32 s21, $0x1F;
	s8 =	sand.u32 $0x70, s24;
	s7 =	sand.u32 $0x3FFFFF80, s7;
	[tilespmem:s6+$0x7D00] =	vst v1  }
0x134: {  	s7 =	sor.u32 s8, s7;
	[tilespmem:s6+$0x7D80] =	vst v0  }
0x135: {  	v0 =	vld [tilespmem:s7+$0x2800];
	_ =	sdelay $0x2  }
0x136: {  	s6 =	sshll.u32 s5, $0x7;
	s5 =	smov.u32 s21  }
0x137: {  	s6 =	sand.u32 $0x3FFFFC00, s6  }
0x138: {  	s6 =	sor.u32 s8, s6;
	v1 =	vadd.s32 $0x2800000, v0;
	v2 =	vadd.s32 $0x2800080, v0;
	v3 =	vadd.s32 $0x2800100, v0  }
0x139: {  	v4 =	vadd.s32 $0x2800180, v0;
	v5 =	vadd.s32 $0x2800200, v0;
	[tilespmem:s6+$0x7A00] =	vst v1  }
.Ltmp6:
0x13a: {  	v1 =	vadd.s32 $0x2800300, v0;
	[tilespmem:s6+$0x7A80] =	vst v2;
	v2 =	vadd.s32 $0x2800280, v0;
	(pc) =	sbr.rel @p0 .LBB2_14-.Ltmp6, $4  }
0x13b: {  	v0 =	vadd.s32 $0x2800380, v0;
	[tilespmem:s6+$0x7B00] =	vst v3  }
0x13c: {  	[tilespmem:s6+$0x7B80] =	vst v4  }
0x13d: {  	[tilespmem:s6+$0x7C00] =	vst v5  }
0x13e: {  	s24 =	sadd.s32 $0x10, s24;
	s21 =	sadd.s32 $0x1, s21;
	s7 =	sshll.u32 s5, $0x4;
	[tilespmem:s6+$0x7C80] =	vst v2  }
0x13f: {  	s8 =	sand.u32 $0x70, s24;
	s7 =	sand.u32 $0x3FFFFF80, s7;
	[tilespmem:s6+$0x7D00] =	vst v1  }
0x140: {  	[tilespmem:s6+$0x7D80] =	vst v0;
	s7 =	sor.u32 s8, s7  }
0x141: {  	v0 =	vld [tilespmem:s7+$0x2800];
	_ =	sdelay $0x2  }
0x142: {  	s5 =	sshll.u32 s5, $0x7  }
0x143: {  	s5 =	sand.u32 $0x3FFFFC00, s5  }
0x144: {  	s5 =	sor.u32 s8, s5;
	v1 =	vadd.s32 $0x2800000, v0  }
0x145: {  	v2 =	vadd.s32 $0x2800080, v0;
	[tilespmem:s5+$0x7A00] =	vst v1  }
0x146: {  	v1 =	vadd.s32 $0x2800100, v0;
	[tilespmem:s5+$0x7A80] =	vst v2  }
0x147: {  	v2 =	vadd.s32 $0x2800180, v0;
	[tilespmem:s5+$0x7B00] =	vst v1  }
0x148: {  	v1 =	vadd.s32 $0x2800200, v0;
	[tilespmem:s5+$0x7B80] =	vst v2  }
0x149: {  	v2 =	vadd.s32 $0x2800280, v0;
	[tilespmem:s5+$0x7C00] =	vst v1  }
0x14a: {  	v1 =	vadd.s32 $0x2800300, v0;
	[tilespmem:s5+$0x7C80] =	vst v2  }
0x14b: {  	v0 =	vadd.s32 $0x2800380, v0;
	[tilespmem:s5+$0x7D00] =	vst v1  }
0x14c: {  	s7 =	simm.s32 $0x7A00;
	[tilespmem:s5+$0x7D80] =	vst v0  }
0x14d: {  	[tilespmem:s14], [sflag:$0x7] =	stream.indirect.gather [hbm4b:s1+s17], $0x1, s7, s17, $0xb8;
	[tilespmem:$0x12A00] =	vst v63  }
0x14e: {  	s21 =	simm.s32 $0x0;
	s8 =	simm.s32 $0x0;
	_ =	swait.ge [sflag:s15], $0x1000  }
0x14f: {  	s6 =	sand.u32 $0x3FFFFF80, s21;
	s5 =	sand.u32 $0x70, s8;
	[sflag:s15] =	ssyncset.done $0x0  }
0x150: {  	s6 =	sor.u32 s5, s6;
	[sflag:s15] =	ssyncadd.s32 $0xFFFFF000  }
0x151: {  	[hbm4b:s9+s8] =	stream.linear.scatter [tilespmem:s31], [sflag:$0x1], $0x1000, $0x38;
	[tilespmem:$0x12A00] =	vst v63  }
0x152: {  	v0 =	vld [tilespmem:s6+$0x2800];
	_ =	sdelay $0x2  }
0x153: {  	s24 =	simm.s32 $0x0  }
0x154: {  	s6 =	sand.u32 $0x3FFFFC00, s24  }
0x155: {  	s6 =	sor.u32 s5, s6;
	v1 =	vadd.s32 $0x3000000, v0  }
0x156: {  	v2 =	vadd.s32 $0x3000080, v0;
	[tilespmem:s6+$0x8A00] =	vst v1  }
0x157: {  	v1 =	vadd.s32 $0x3000100, v0;
	[tilespmem:s6+$0x8A80] =	vst v2  }
0x158: {  	v2 =	vadd.s32 $0x3000180, v0;
	[tilespmem:s6+$0x8B00] =	vst v1  }
0x159: {  	v1 =	vadd.s32 $0x3000200, v0;
	[tilespmem:s6+$0x8B80] =	vst v2  }
0x15a: {  	s21 =	simm.s32 $0x2;
	v2 =	vadd.s32 $0x3000280, v0;
	[tilespmem:s6+$0x8C00] =	vst v1  }
0x15b: {  	s7 =	simm.s32 $0x10;
	s24 =	simm.s32 $0x10;
	s5 =	simm.s32 $0x1;
	v1 =	vadd.s32 $0x3000300, v0;
	v0 =	vadd.s32 $0x3000380, v0;
	[tilespmem:s6+$0x8C80] =	vst v2  }
.LBB2_16:
0x15c: {  	p0 =	sne.s32 s21, $0x1F;
	s8 =	sand.u32 $0x70, s24;
	s7 =	sand.u32 $0x3FFFFF80, s7;
	[tilespmem:s6+$0x8D00] =	vst v1  }
0x15d: {  	s7 =	sor.u32 s8, s7;
	[tilespmem:s6+$0x8D80] =	vst v0  }
0x15e: {  	v0 =	vld [tilespmem:s7+$0x2800];
	_ =	sdelay $0x2  }
0x15f: {  	s6 =	sshll.u32 s5, $0x7;
	s5 =	smov.u32 s21  }
0x160: {  	s6 =	sand.u32 $0x3FFFFC00, s6  }
0x161: {  	s6 =	sor.u32 s8, s6;
	v1 =	vadd.s32 $0x3000000, v0;
	v2 =	vadd.s32 $0x3000080, v0;
	v3 =	vadd.s32 $0x3000100, v0  }
0x162: {  	v4 =	vadd.s32 $0x3000180, v0;
	v5 =	vadd.s32 $0x3000200, v0;
	[tilespmem:s6+$0x8A00] =	vst v1  }
.Ltmp7:
0x163: {  	v1 =	vadd.s32 $0x3000300, v0;
	[tilespmem:s6+$0x8A80] =	vst v2;
	v2 =	vadd.s32 $0x3000280, v0;
	(pc) =	sbr.rel @p0 .LBB2_16-.Ltmp7, $4  }
0x164: {  	v0 =	vadd.s32 $0x3000380, v0;
	[tilespmem:s6+$0x8B00] =	vst v3  }
0x165: {  	[tilespmem:s6+$0x8B80] =	vst v4  }
0x166: {  	[tilespmem:s6+$0x8C00] =	vst v5  }
0x167: {  	s24 =	sadd.s32 $0x10, s24;
	s21 =	sadd.s32 $0x1, s21;
	s7 =	sshll.u32 s5, $0x4;
	[tilespmem:s6+$0x8C80] =	vst v2  }
0x168: {  	s8 =	sand.u32 $0x70, s24;
	s7 =	sand.u32 $0x3FFFFF80, s7;
	[tilespmem:s6+$0x8D00] =	vst v1  }
0x169: {  	[tilespmem:s6+$0x8D80] =	vst v0;
	s7 =	sor.u32 s8, s7  }
0x16a: {  	v0 =	vld [tilespmem:s7+$0x2800];
	_ =	sdelay $0x2  }
0x16b: {  	s5 =	sshll.u32 s5, $0x7  }
0x16c: {  	s5 =	sand.u32 $0x3FFFFC00, s5  }
0x16d: {  	s5 =	sor.u32 s8, s5;
	v1 =	vadd.s32 $0x3000000, v0  }
0x16e: {  	v2 =	vadd.s32 $0x3000080, v0;
	[tilespmem:s5+$0x8A00] =	vst v1  }
0x16f: {  	v1 =	vadd.s32 $0x3000100, v0;
	[tilespmem:s5+$0x8A80] =	vst v2  }
0x170: {  	v2 =	vadd.s32 $0x3000180, v0;
	[tilespmem:s5+$0x8B00] =	vst v1  }
0x171: {  	v1 =	vadd.s32 $0x3000200, v0;
	[tilespmem:s5+$0x8B80] =	vst v2  }
0x172: {  	v2 =	vadd.s32 $0x3000280, v0;
	[tilespmem:s5+$0x8C00] =	vst v1  }
0x173: {  	v1 =	vadd.s32 $0x3000300, v0;
	[tilespmem:s5+$0x8C80] =	vst v2  }
0x174: {  	v0 =	vadd.s32 $0x3000380, v0;
	[tilespmem:s5+$0x8D00] =	vst v1  }
0x175: {  	s7 =	simm.s32 $0x8A00;
	[tilespmem:s5+$0x8D80] =	vst v0  }
0x176: {  	[tilespmem:s20], [sflag:$0x8] =	stream.indirect.gather [hbm4b:s1+s17], $0x1, s7, s17, $0xb8;
	[tilespmem:$0x12A00] =	vst v63  }
0x177: {  	s21 =	simm.s32 $0x0;
	s8 =	simm.s32 $0x0;
	_ =	swait.ge [sflag:s23], $0x1000  }
0x178: {  	s6 =	sand.u32 $0x3FFFFF80, s21;
	s5 =	sand.u32 $0x70, s8;
	[sflag:s23] =	ssyncset.done $0x0  }
0x179: {  	s6 =	sor.u32 s5, s6;
	[sflag:s23] =	ssyncadd.s32 $0xFFFFF000  }
0x17a: {  	[hbm4b:s10+s8] =	stream.linear.scatter [tilespmem:s14], [sflag:$0x1], $0x1000, $0x38;
	[tilespmem:$0x12A00] =	vst v63  }
0x17b: {  	v0 =	vld [tilespmem:s6+$0x2800];
	_ =	sdelay $0x2  }
0x17c: {  	s24 =	simm.s32 $0x0  }
0x17d: {  	s6 =	sand.u32 $0x3FFFFC00, s24  }
0x17e: {  	s6 =	sor.u32 s5, s6;
	v1 =	vadd.s32 $0x3800000, v0  }
0x17f: {  	v2 =	vadd.s32 $0x3800080, v0;
	[tilespmem:s6+$0x9A00] =	vst v1  }
0x180: {  	v1 =	vadd.s32 $0x3800100, v0;
	[tilespmem:s6+$0x9A80] =	vst v2  }
0x181: {  	v2 =	vadd.s32 $0x3800180, v0;
	[tilespmem:s6+$0x9B00] =	vst v1  }
0x182: {  	v1 =	vadd.s32 $0x3800200, v0;
	[tilespmem:s6+$0x9B80] =	vst v2  }
0x183: {  	s21 =	simm.s32 $0x2;
	v2 =	vadd.s32 $0x3800280, v0;
	[tilespmem:s6+$0x9C00] =	vst v1  }
0x184: {  	s7 =	simm.s32 $0x10;
	s24 =	simm.s32 $0x10;
	s5 =	simm.s32 $0x1;
	v1 =	vadd.s32 $0x3800300, v0;
	v0 =	vadd.s32 $0x3800380, v0;
	[tilespmem:s6+$0x9C80] =	vst v2  }
.LBB2_18:
0x185: {  	p0 =	sne.s32 s21, $0x1F;
	s8 =	sand.u32 $0x70, s24;
	s7 =	sand.u32 $0x3FFFFF80, s7;
	[tilespmem:s6+$0x9D00] =	vst v1  }
0x186: {  	s7 =	sor.u32 s8, s7;
	[tilespmem:s6+$0x9D80] =	vst v0  }
0x187: {  	v0 =	vld [tilespmem:s7+$0x2800];
	_ =	sdelay $0x2  }
0x188: {  	s6 =	sshll.u32 s5, $0x7;
	s5 =	smov.u32 s21  }
0x189: {  	s6 =	sand.u32 $0x3FFFFC00, s6  }
0x18a: {  	s6 =	sor.u32 s8, s6;
	v1 =	vadd.s32 $0x3800000, v0;
	v2 =	vadd.s32 $0x3800080, v0;
	v3 =	vadd.s32 $0x3800100, v0  }
0x18b: {  	v4 =	vadd.s32 $0x3800180, v0;
	v5 =	vadd.s32 $0x3800200, v0;
	[tilespmem:s6+$0x9A00] =	vst v1  }
.Ltmp8:
0x18c: {  	v1 =	vadd.s32 $0x3800300, v0;
	[tilespmem:s6+$0x9A80] =	vst v2;
	v2 =	vadd.s32 $0x3800280, v0;
	(pc) =	sbr.rel @p0 .LBB2_18-.Ltmp8, $4  }
0x18d: {  	v0 =	vadd.s32 $0x3800380, v0;
	[tilespmem:s6+$0x9B00] =	vst v3  }
0x18e: {  	[tilespmem:s6+$0x9B80] =	vst v4  }
0x18f: {  	[tilespmem:s6+$0x9C00] =	vst v5  }
0x190: {  	s24 =	sadd.s32 $0x10, s24;
	s21 =	sadd.s32 $0x1, s21;
	s7 =	sshll.u32 s5, $0x4;
	[tilespmem:s6+$0x9C80] =	vst v2  }
0x191: {  	s8 =	sand.u32 $0x70, s24;
	s7 =	sand.u32 $0x3FFFFF80, s7;
	[tilespmem:s6+$0x9D00] =	vst v1  }
0x192: {  	[tilespmem:s6+$0x9D80] =	vst v0;
	s7 =	sor.u32 s8, s7  }
0x193: {  	v0 =	vld [tilespmem:s7+$0x2800];
	_ =	sdelay $0x2  }
0x194: {  	s5 =	sshll.u32 s5, $0x7  }
0x195: {  	s5 =	sand.u32 $0x3FFFFC00, s5  }
0x196: {  	s5 =	sor.u32 s8, s5;
	v58 =	vadd.s32 $0x3800000, v0  }
0x197: {  	v2 =	vadd.s32 $0x3800080, v0;
	[tilespmem:s5+$0x9A00] =	vst v58  }
0x198: {  	v59 =	vadd.s32 $0x3800100, v0;
	[tilespmem:s5+$0x9A80] =	vst v2  }
0x199: {  	v60 =	vadd.s32 $0x3800180, v0;
	[tilespmem:s5+$0x9B00] =	vst v59  }
0x19a: {  	v61 =	vadd.s32 $0x3800200, v0;
	[tilespmem:s5+$0x9B80] =	vst v60  }
0x19b: {  	v62 =	vadd.s32 $0x3800280, v0;
	[tilespmem:s5+$0x9C00] =	vst v61  }
0x19c: {  	v63 =	vadd.s32 $0x3800300, v0;
	[tilespmem:s5+$0x9C80] =	vst v62  }
0x19d: {  	v0 =	vadd.s32 $0x3800380, v0;
	[tilespmem:s5+$0x9D00] =	vst v63  }
0x19e: {  	s24 =	simm.s32 $0x9A00;
	[tilespmem:s5+$0x9D80] =	vst v0  }
0x19f: {  	[tilespmem:s30], [sflag:$0x9] =	stream.indirect.gather [hbm4b:s1+s17], $0x1, s24, s17, $0xb8;
	[tilespmem:$0x12A00] =	vst v63  }
0x1a0: {  	_ =	swait.ge [sflag:s2], $0x1000  }
0x1a1: {  	[sflag:s2] =	ssyncset.done $0x0  }
0x1a2: {  	[sflag:s2] =	ssyncadd.s32 $0xFFFFF000  }
0x1a3: {  	[hbm4b:s11+s3] =	stream.linear.scatter [tilespmem:s20], [sflag:$0x1], $0x1000, $0x38;
	[tilespmem:$0x12A00] =	vst v63  }
0x1a4: {  	_ =	swait.ge [sflag:s18], $0x1000  }
0x1a5: {  	[sflag:s18] =	ssyncset.done $0x0  }
0x1a6: {  	[sflag:s18] =	ssyncadd.s32 $0xFFFFF000  }
0x1a7: {  	[hbm4b:s12+s3] =	stream.linear.scatter [tilespmem:s30], [sflag:$0x1], $0x1000, $0x38;
	[tilespmem:$0x12A00] =	vst v63  }
0x1a8: {  	_ =	swait.ge [sflag:s26], $0x1000  }
0x1a9: {  	[sflag:s26] =	ssyncset.done $0x0  }
0x1aa: {  	[sflag:s26] =	ssyncadd.s32 $0xFFFFF000  }
0x1ab: {  	_ =	swait.ge [sflag:s26], $0x1000  }
0x1ac: {  	[sflag:s26] =	ssyncset.done $0x0  }
0x1ad: {  	[sflag:s26] =	ssyncadd.s32 $0xFFFFF000  }
0x1ae: {  	_ =	swait.ge [sflag:s26], $0x1000  }
0x1af: {  	[sflag:s26] =	ssyncset.done $0x0  }
0x1b0: {  	[sflag:s26] =	ssyncadd.s32 $0xFFFFF000  }
0x1b1: {  	_ =	swait.ge [sflag:s26], $0x1000  }
0x1b2: {  	[sflag:s26] =	ssyncset.done $0x0  }
0x1b3: {  	[sflag:s26] =	ssyncadd.s32 $0xFFFFF000  }
0x1b4: {  	_ =	swait.ge [sflag:s26], $0x1000  }
0x1b5: {  	[sflag:s26] =	ssyncset.done $0x0  }
0x1b6: {  	[sflag:s26] =	ssyncadd.s32 $0xFFFFF000  }
0x1b7: {  	_ =	swait.ge [sflag:s26], $0x1000  }
0x1b8: {  	[sflag:s26] =	ssyncset.done $0x0  }
0x1b9: {  	s19 =	sadd.s32 $0x1, s19;
	[sflag:s26] =	ssyncadd.s32 $0xFFFFF000  }
0x1ba: {  	p0 =	sne.s32 s19, s13;
	_ =	swait.ge [sflag:s26], $0x1000  }
.Ltmp9:
0x1bb: {  	[sflag:s26] =	ssyncset.done $0x0;
	(pc) =	sbr.rel @p0 .LBB2_1-.Ltmp9, $4  }
0x1bc: {  	[sflag:s26] =	ssyncadd.s32 $0xFFFFF000  }
0x1bd: {  	_ =	swait.ge [sflag:s26], $0x1000  }
0x1be: {  	[sflag:s26] =	ssyncset.done $0x0  }
0x1bf: {  	[sflag:s26] =	ssyncadd.s32 $0xFFFFF000  }
0x1c0: {  	_ =	sfence.sel $0x180000  }
0x1c1: {  	[bflag:$0x0] =	sbarrier.arrive $0xFFFF  }
0x1c2: {  	_ =	strace $0x90000047  }
0x1c3: {  	s0 =	stileid.u32;
	[bflag:$0x2] =	sbarrier.arrive $0xFFFF  }
0x1c4: {  	p0 =	sne.s32 s0, $0x0;
	s0 =	rddreg [dreg:$0x3]  }
0x1c5: {  	s0 =	sadd.s32 @!p0 $0x100000, s0  }
0x1c6: {  	[sflag:s0] =	ssyncadd.tile.s32 @!p0 $0x1;
	_ =	shalt  }
.Lfunc_end2:
_tile_overlayer_lowered:
.L_overlay_start_2:
0x1c7: {  	(tag) =	ssettag $0x2  }
0x1c8: {  	s0 =	rddreg [dreg:$0x0];
	s2 =	stileid.u32  }
0x1c9: {  	s1 =	rddreg [dreg:$0x1];
	p0 =	sne.s32 s2, $0x0  }
0x1ca: {  	s3 =	rddreg [dreg:$0x2];
	[bflag:$0x3] =	sbarrier.arrive $0xFFFF;
	s2 =	simm.s32 @!p0 $0x1C0A  }
0x1cb: {  	[timem:s3], [sflag:s2] =	dma.local @!p0 [hbm:s0], s1  }
0x1cc: {  	s0 =	simm.s32 @!p0 $0xA  }
0x1cd: {  	_ =	swait.ge @!p0 [sflag:s0], s1  }
0x1ce: {  	s1 =	ssub.s32 @!p0 $0x0, s1;
	[sflag:s0] =	ssyncset.done @!p0 $0x0  }
0x1cf: {  	[sflag:s0] =	ssyncadd.s32 @!p0 s1  }
0x1d0: {  	[bflag:$0x3] =	sbarrier.arrive $0xFFFF  }
0x1d1: {  	_ =	shalt  }

</sc_bundles>
